<compile_context>
chip_gen: v7x
topology: tpu7x:2x2x1
jax: 0.10.2.dev20260603
libtpu: 0.0.44.dev20260713+nightly
codegen_flags: <defaults>
</compile_context>

<pallas_src>
import functools

import jax
import jax.numpy as jnp
from jax import lax
from jax.experimental import pallas as pl
from jax.experimental.pallas import tpu as pltpu
from jax.experimental.pallas import tpu_sc as plsc

NC = 2
NS = 16
CHUNK = 128
NBUF = 8
LOOK = NBUF // 2


def _round_up(x, m):
    return (x + m - 1) // m * m


def _sc_accumulate(x2, srclo, srchi, dst2d, n_pad, ew):
    d2 = x2.shape[1]
    rps = n_pad // NS
    t = ew // CHUNK
    mesh = plsc.VectorSubcoreMesh(core_axis_name="c", subcore_axis_name="s")

    @functools.partial(
        pl.kernel,
        mesh=mesh,
        out_type=[
            jax.ShapeDtypeStruct((NC * n_pad, d2), jnp.bfloat16),
            jax.ShapeDtypeStruct((n_pad,), jnp.float32),
        ],
        scratch_types=[
            pltpu.VMEM((t, CHUNK), jnp.int32),
            pltpu.VMEM((t, CHUNK), jnp.int32),
            pltpu.VMEM((NBUF, CHUNK, d2), jnp.bfloat16),
            pltpu.VMEM((CHUNK,), jnp.float32),
            pltpu.VMEM((CHUNK,), jnp.float32),
            pltpu.VMEM_SHARED((n_pad, d2), jnp.bfloat16),
            pltpu.VMEM_SHARED((n_pad,), jnp.float32),
        ] + [pltpu.SemaphoreType.DMA] * (3 * NBUF),
        compiler_params=pltpu.CompilerParams(use_tc_tiling_on_sc=False),
    )
    def accum(x_hbm, srclo_hbm, srchi_hbm, dst_hbm,
              psum_hbm, cnt_hbm, src_all, dst_all, rows, ones_v, zf_v, acc,
              cnt, *sems):
        sg = sems[0:NBUF]
        ss = sems[NBUF:2 * NBUF]
        sc2 = sems[2 * NBUF:]
        c = lax.axis_index("c")
        s = lax.axis_index("s")
        core0 = c == 0
        for j in range(CHUNK // 16):
            ones_v[pl.ds(16 * j, 16)] = jnp.ones((16,), jnp.float32)
            zf_v[pl.ds(16 * j, 16)] = jnp.zeros((16,), jnp.float32)

        def zrow(i, carry):
            rows[0, i, pl.ds(0, 32)] = jnp.zeros((32,), jnp.bfloat16)
            rows[0, i, pl.ds(32, 32)] = jnp.zeros((32,), jnp.bfloat16)
            return carry

        lax.fori_loop(0, CHUNK, zrow, 0)
        for q in range(rps // CHUNK):
            pltpu.sync_copy(rows.at[0],
                            acc.at[pl.ds(s * rps + q * CHUNK, CHUNK)])

        @pl.when(core0)
        def _():
            for q in range(rps // CHUNK):
                pltpu.sync_copy(zf_v,
                                cnt.at[pl.ds(s * rps + q * CHUNK, CHUNK)])

        @pl.when(core0)
        def _():
            pltpu.sync_copy(srclo_hbm.at[pl.ds(s * t, t)], src_all)

        @pl.when(jnp.logical_not(core0))
        def _():
            pltpu.sync_copy(srchi_hbm.at[pl.ds(s * t, t)], src_all)

        pltpu.sync_copy(dst_hbm.at[pl.ds(s * t, t)], dst_all)
        plsc.subcore_barrier()

        def issue_gather(j, k):
            pltpu.async_copy(x_hbm.at[src_all.at[j]], rows.at[k], sg[k])

        for k in range(LOOK):
            issue_gather(k, k)

        def group(g, carry):
            j0 = g * NBUF
            for k in range(NBUF):
                j = j0 + k
                pltpu.make_async_copy(x_hbm.at[src_all.at[j]], rows.at[k],
                                      sg[k]).wait()
                pltpu.async_copy(rows.at[k], acc.at[dst_all.at[j]], ss[k],
                                 add=True)

                @pl.when(core0)
                def _():
                    pltpu.async_copy(ones_v, cnt.at[dst_all.at[j]], sc2[k],
                                     add=True)

                k2 = (k + LOOK) % NBUF
                jg = j + LOOK

                @pl.when((j >= NBUF - LOOK) & (jg < t))
                def _():
                    pltpu.make_async_copy(rows.at[k2], acc.at[dst_all.at[0]],
                                          ss[k2]).wait()

                    @pl.when(core0)
                    def _():
                        pltpu.make_async_copy(ones_v, cnt.at[dst_all.at[0]],
                                              sc2[k2]).wait()

                @pl.when(jg < t)
                def _():
                    issue_gather(jg, k2)
            return carry

        lax.fori_loop(0, t // NBUF, group, 0)
        for k in range(NBUF):
            pltpu.make_async_copy(rows.at[k], acc.at[dst_all.at[0]],
                                  ss[k]).wait()

            @pl.when(core0)
            def _():
                pltpu.make_async_copy(ones_v, cnt.at[dst_all.at[0]],
                                      sc2[k]).wait()

        plsc.subcore_barrier()
        pltpu.sync_copy(acc.at[pl.ds(s * rps, rps)],
                        psum_hbm.at[pl.ds(c * n_pad + s * rps, rps)])

        @pl.when(core0)
        def _():
            pltpu.sync_copy(cnt.at[pl.ds(s * rps, rps)],
                            cnt_hbm.at[pl.ds(s * rps, rps)])

    return accum(x2, srclo, srchi, dst2d)


def _tc_combine_matmul(psum, pcnt1, x, w_line, w_self, b_line, b_self, n_pad):
    n, d = x.shape
    d2 = d // 2
    br = 2048
    grid = -(-n // br)
    nb = n_pad // br

    def body(lo_ref, hi_ref, cnt_ref, x_ref, wl_ref, ws_ref, bl_ref, bs_ref,
             out_ref):
        rec = 1.0 / jnp.maximum(cnt_ref[0, :], 1.0)
        mean = (jnp.concatenate([lo_ref[...], hi_ref[...]], axis=1)
                .astype(jnp.float32) * rec[:, None])
        dn = (((1,), (1,)), ((), ()))
        acc = lax.dot_general(mean, wl_ref[...], dn,
                              preferred_element_type=jnp.float32)
        acc = acc + lax.dot_general(x_ref[...], ws_ref[...], dn,
                                    preferred_element_type=jnp.float32)
        out_ref[...] = acc + bl_ref[...] + bs_ref[...]

    return pl.pallas_call(
        body,
        grid=(grid,),
        in_specs=[
            pl.BlockSpec((br, d2), lambda i: (i, 0)),
            pl.BlockSpec((br, d2), lambda i: (i + nb, 0)),
            pl.BlockSpec((1, br), lambda i: (0, i)),
            pl.BlockSpec((br, d), lambda i: (i, 0)),
            pl.BlockSpec((d, d), lambda i: (0, 0)),
            pl.BlockSpec((d, d), lambda i: (0, 0)),
            pl.BlockSpec((1, d), lambda i: (0, 0)),
            pl.BlockSpec((1, d), lambda i: (0, 0)),
        ],
        out_specs=pl.BlockSpec((br, d), lambda i: (i, 0)),
        out_shape=jax.ShapeDtypeStruct((n, d), jnp.float32),
    )(psum, psum, pcnt1, x, w_line, w_self, b_line, b_self)


def kernel(node_feature, edge_indices, W_line, b_line, W_self, b_self):
    n, d = node_feature.shape
    e = edge_indices.shape[1]
    ew = _round_up(-(-e // NS), CHUNK * NBUF)
    e_pad = NS * ew
    n_pad = _round_up(n + 1, 2048)

    pad = e_pad - e
    src_p = jnp.concatenate([edge_indices[0], jnp.zeros((pad,), jnp.int32)])
    srclo = (src_p * 2).reshape(e_pad // CHUNK, CHUNK)
    srchi = (src_p * 2 + 1).reshape(e_pad // CHUNK, CHUNK)
    dst2d = jnp.concatenate([edge_indices[1], jnp.full((pad,), n, jnp.int32)])
    dst2d = dst2d.reshape(e_pad // CHUNK, CHUNK)
    x2 = node_feature.astype(jnp.bfloat16).reshape(2 * n, d // 2)

    psum, pcnt = _sc_accumulate(x2, srclo, srchi, dst2d, n_pad, ew)
    return _tc_combine_matmul(psum, pcnt.reshape(1, n_pad), node_feature,
                              W_line, W_self, b_line.reshape(1, d),
                              b_self.reshape(1, d), n_pad)

# --- scband reference (transcript-rebuilt; emitter-appended) ---
"""Pipeline reference for scband-sageconv-52046413693116 (READ-ONLY COPY).

The authoritative reference and input builder live on the scoring server;
editing this copy changes nothing except your own understanding.
"""

import jax, jax.numpy as jnp
import numpy as np

N = 10000
E = 320000
D = 128

def setup_inputs(seed: int = 0) -> dict:
    key = jax.random.key(seed)
    k1, k2, k3, k4, k5, k6 = jax.random.split(key, 6)
    node_feature = jax.random.normal(k1, (N, D), dtype=jnp.float32)
    edge_indices = jax.random.randint(k2, (2, E), 0, N, dtype=jnp.int32)
    W_line = jax.random.normal(k3, (D, D), dtype=jnp.float32) * (1.0 / np.sqrt(D))
    b_line = jax.random.normal(k4, (D,), dtype=jnp.float32) * 0.01
    W_self = jax.random.normal(k5, (D, D), dtype=jnp.float32) * (1.0 / np.sqrt(D))
    b_self = jax.random.normal(k6, (D,), dtype=jnp.float32) * 0.01
    return {"node_feature": node_feature, "edge_indices": edge_indices, "W_line": W_line, "b_line": b_line, "W_self": W_self, "b_self": b_self}

def reference(node_feature, edge_indices, W_line, b_line, W_self, b_self):
    source = edge_indices[0]
    target = edge_indices[1]
    # gather source node features along edges
    source_feature = jnp.take(node_feature, source, axis=0)
    # scatter-mean into destination nodes
    summed = jax.ops.segment_sum(source_feature, target, num_segments=N)
    counts = jax.ops.segment_sum(jnp.ones((E,), dtype=node_feature.dtype), target, num_segments=N)
    mean_agg = summed / jnp.maximum(counts, 1.0)[:, None]
    # linear on aggregated neighbours + linear self-loop
    neighbour = mean_agg @ W_line.T + b_line
    out = neighbour + (node_feature @ W_self.T + b_self)
    return out

if __name__ == "__main__":
    import jax
    _d = setup_inputs()
    print(jax.jit(kernel)(*tuple(_d.values())))

</pallas_src>

<mosaic_0001>
#map = affine_map<(d0, d1) -> (0, 0)>
#map1 = affine_map<(d0, d1) -> (0)>
module attributes {stable_mosaic.version = 14 : i64} {
  func.func @accum(%arg0: i32, %arg1: i32, %arg2: memref<20000x64xbf16, #tpu.memory_space<hbm>>, %arg3: memref<2560x128xi32, #tpu.memory_space<hbm>>, %arg4: memref<2560x128xi32, #tpu.memory_space<hbm>>, %arg5: memref<2560x128xi32, #tpu.memory_space<hbm>>, %arg6: memref<20480x64xbf16, #tpu.memory_space<hbm>>, %arg7: memref<10240xf32, #tpu.memory_space<hbm>>, %arg8: memref<160x128xi32, #tpu.memory_space<vmem>>, %arg9: memref<160x128xi32, #tpu.memory_space<vmem>>, %arg10: memref<8x128x64xbf16, #tpu.memory_space<vmem>>, %arg11: memref<128xf32, #tpu.memory_space<vmem>>, %arg12: memref<128xf32, #tpu.memory_space<vmem>>, %arg13: memref<10240x64xbf16, #tpu.memory_space<vmem_shared>>, %arg14: memref<10240xf32, #tpu.memory_space<vmem_shared>>, %arg15: memref<!tpu.dma_semaphore, #tpu.memory_space<semaphore_mem>>, %arg16: memref<!tpu.dma_semaphore, #tpu.memory_space<semaphore_mem>>, %arg17: memref<!tpu.dma_semaphore, #tpu.memory_space<semaphore_mem>>, %arg18: memref<!tpu.dma_semaphore, #tpu.memory_space<semaphore_mem>>, %arg19: memref<!tpu.dma_semaphore, #tpu.memory_space<semaphore_mem>>, %arg20: memref<!tpu.dma_semaphore, #tpu.memory_space<semaphore_mem>>, %arg21: memref<!tpu.dma_semaphore, #tpu.memory_space<semaphore_mem>>, %arg22: memref<!tpu.dma_semaphore, #tpu.memory_space<semaphore_mem>>, %arg23: memref<!tpu.dma_semaphore, #tpu.memory_space<semaphore_mem>>, %arg24: memref<!tpu.dma_semaphore, #tpu.memory_space<semaphore_mem>>, %arg25: memref<!tpu.dma_semaphore, #tpu.memory_space<semaphore_mem>>, %arg26: memref<!tpu.dma_semaphore, #tpu.memory_space<semaphore_mem>>, %arg27: memref<!tpu.dma_semaphore, #tpu.memory_space<semaphore_mem>>, %arg28: memref<!tpu.dma_semaphore, #tpu.memory_space<semaphore_mem>>, %arg29: memref<!tpu.dma_semaphore, #tpu.memory_space<semaphore_mem>>, %arg30: memref<!tpu.dma_semaphore, #tpu.memory_space<semaphore_mem>>, %arg31: memref<!tpu.dma_semaphore, #tpu.memory_space<semaphore_mem>>, %arg32: memref<!tpu.dma_semaphore, #tpu.memory_space<semaphore_mem>>, %arg33: memref<!tpu.dma_semaphore, #tpu.memory_space<semaphore_mem>>, %arg34: memref<!tpu.dma_semaphore, #tpu.memory_space<semaphore_mem>>, %arg35: memref<!tpu.dma_semaphore, #tpu.memory_space<semaphore_mem>>, %arg36: memref<!tpu.dma_semaphore, #tpu.memory_space<semaphore_mem>>, %arg37: memref<!tpu.dma_semaphore, #tpu.memory_space<semaphore_mem>>, %arg38: memref<!tpu.dma_semaphore, #tpu.memory_space<semaphore_mem>>) attributes {dimension_semantics = [#tpu.dimension_semantics<core_parallel>, #tpu.dimension_semantics<subcore_parallel>], iteration_bounds = array<i64: 2, 16>, scalar_prefetch = 0 : i64, scratch_operands = 31 : i64, tpu.core_type = #tpu.core_type<sc_vector_subcore>, window_params = [{transform_indices = #map}, {transform_indices = #map}, {transform_indices = #map}, {transform_indices = #map}, {transform_indices = #map}, {transform_indices = #map1}]} {
    %eq3A = arith.constant 0 : i32
    %eq3A_0 = arith.cmpi eq, %arg0, %eq3A : i32
    %broadcast_in_dim3A = arith.constant 1.000000e+00 : f32
    %broadcast_in_dim3A_1 = vector.broadcast %broadcast_in_dim3A : f32 to vector<16xf32>
    %swap3A = arith.constant 0 : index
    %swap3A_2 = tpu.vector_load %arg11[%swap3A] {strides = array<i32>} : memref<128xf32, #tpu.memory_space<vmem>>, vector<16xf32>,
    %swap3A_3 = vector.shape_cast %swap3A_2 : vector<16xf32> to vector<16xf32>
    %swap3A_4 = vector.shape_cast %broadcast_in_dim3A_1 : vector<16xf32> to vector<16xf32>
    tpu.vector_store %arg11[%swap3A], %swap3A_4 {strides = array<i32>} : memref<128xf32, #tpu.memory_space<vmem>>, vector<16xf32>,
    %broadcast_in_dim3A_5 = arith.constant 0.000000e+00 : f32
    %broadcast_in_dim3A_6 = vector.broadcast %broadcast_in_dim3A_5 : f32 to vector<16xf32>
    %swap3A_7 = arith.constant 0 : index
    %swap3A_8 = tpu.vector_load %arg12[%swap3A_7] {strides = array<i32>} : memref<128xf32, #tpu.memory_space<vmem>>, vector<16xf32>,
    %swap3A_9 = vector.shape_cast %swap3A_8 : vector<16xf32> to vector<16xf32>
    %swap3A_10 = vector.shape_cast %broadcast_in_dim3A_6 : vector<16xf32> to vector<16xf32>
    tpu.vector_store %arg12[%swap3A_7], %swap3A_10 {strides = array<i32>} : memref<128xf32, #tpu.memory_space<vmem>>, vector<16xf32>,
    %broadcast_in_dim3A_11 = arith.constant 1.000000e+00 : f32
    %broadcast_in_dim3A_12 = vector.broadcast %broadcast_in_dim3A_11 : f32 to vector<16xf32>
    %swap3A_13 = arith.constant 16 : index
    %swap3A_14 = tpu.vector_load %arg11[%swap3A_13] {strides = array<i32>} : memref<128xf32, #tpu.memory_space<vmem>>, vector<16xf32>,
    %swap3A_15 = vector.shape_cast %swap3A_14 : vector<16xf32> to vector<16xf32>
    %swap3A_16 = vector.shape_cast %broadcast_in_dim3A_12 : vector<16xf32> to vector<16xf32>
    tpu.vector_store %arg11[%swap3A_13], %swap3A_16 {strides = array<i32>} : memref<128xf32, #tpu.memory_space<vmem>>, vector<16xf32>,
    %broadcast_in_dim3A_17 = arith.constant 0.000000e+00 : f32
    %broadcast_in_dim3A_18 = vector.broadcast %broadcast_in_dim3A_17 : f32 to vector<16xf32>
    %swap3A_19 = arith.constant 16 : index
    %swap3A_20 = tpu.vector_load %arg12[%swap3A_19] {strides = array<i32>} : memref<128xf32, #tpu.memory_space<vmem>>, vector<16xf32>,
    %swap3A_21 = vector.shape_cast %swap3A_20 : vector<16xf32> to vector<16xf32>
    %swap3A_22 = vector.shape_cast %broadcast_in_dim3A_18 : vector<16xf32> to vector<16xf32>
    tpu.vector_store %arg12[%swap3A_19], %swap3A_22 {strides = array<i32>} : memref<128xf32, #tpu.memory_space<vmem>>, vector<16xf32>,
    %broadcast_in_dim3A_23 = arith.constant 1.000000e+00 : f32
    %broadcast_in_dim3A_24 = vector.broadcast %broadcast_in_dim3A_23 : f32 to vector<16xf32>
    %swap3A_25 = arith.constant 32 : index
    %swap3A_26 = tpu.vector_load %arg11[%swap3A_25] {strides = array<i32>} : memref<128xf32, #tpu.memory_space<vmem>>, vector<16xf32>,
    %swap3A_27 = vector.shape_cast %swap3A_26 : vector<16xf32> to vector<16xf32>
    %swap3A_28 = vector.shape_cast %broadcast_in_dim3A_24 : vector<16xf32> to vector<16xf32>
    tpu.vector_store %arg11[%swap3A_25], %swap3A_28 {strides = array<i32>} : memref<128xf32, #tpu.memory_space<vmem>>, vector<16xf32>,
    %broadcast_in_dim3A_29 = arith.constant 0.000000e+00 : f32
    %broadcast_in_dim3A_30 = vector.broadcast %broadcast_in_dim3A_29 : f32 to vector<16xf32>
    %swap3A_31 = arith.constant 32 : index
    %swap3A_32 = tpu.vector_load %arg12[%swap3A_31] {strides = array<i32>} : memref<128xf32, #tpu.memory_space<vmem>>, vector<16xf32>,
    %swap3A_33 = vector.shape_cast %swap3A_32 : vector<16xf32> to vector<16xf32>
    %swap3A_34 = vector.shape_cast %broadcast_in_dim3A_30 : vector<16xf32> to vector<16xf32>
    tpu.vector_store %arg12[%swap3A_31], %swap3A_34 {strides = array<i32>} : memref<128xf32, #tpu.memory_space<vmem>>, vector<16xf32>,
    %broadcast_in_dim3A_35 = arith.constant 1.000000e+00 : f32
    %broadcast_in_dim3A_36 = vector.broadcast %broadcast_in_dim3A_35 : f32 to vector<16xf32>
    %swap3A_37 = arith.constant 48 : index
    %swap3A_38 = tpu.vector_load %arg11[%swap3A_37] {strides = array<i32>} : memref<128xf32, #tpu.memory_space<vmem>>, vector<16xf32>,
    %swap3A_39 = vector.shape_cast %swap3A_38 : vector<16xf32> to vector<16xf32>
    %swap3A_40 = vector.shape_cast %broadcast_in_dim3A_36 : vector<16xf32> to vector<16xf32>
    tpu.vector_store %arg11[%swap3A_37], %swap3A_40 {strides = array<i32>} : memref<128xf32, #tpu.memory_space<vmem>>, vector<16xf32>,
    %broadcast_in_dim3A_41 = arith.constant 0.000000e+00 : f32
    %broadcast_in_dim3A_42 = vector.broadcast %broadcast_in_dim3A_41 : f32 to vector<16xf32>
    %swap3A_43 = arith.constant 48 : index
    %swap3A_44 = tpu.vector_load %arg12[%swap3A_43] {strides = array<i32>} : memref<128xf32, #tpu.memory_space<vmem>>, vector<16xf32>,
    %swap3A_45 = vector.shape_cast %swap3A_44 : vector<16xf32> to vector<16xf32>
    %swap3A_46 = vector.shape_cast %broadcast_in_dim3A_42 : vector<16xf32> to vector<16xf32>
    tpu.vector_store %arg12[%swap3A_43], %swap3A_46 {strides = array<i32>} : memref<128xf32, #tpu.memory_space<vmem>>, vector<16xf32>,
    %broadcast_in_dim3A_47 = arith.constant 1.000000e+00 : f32
    %broadcast_in_dim3A_48 = vector.broadcast %broadcast_in_dim3A_47 : f32 to vector<16xf32>
    %swap3A_49 = arith.constant 64 : index
    %swap3A_50 = tpu.vector_load %arg11[%swap3A_49] {strides = array<i32>} : memref<128xf32, #tpu.memory_space<vmem>>, vector<16xf32>,
    %swap3A_51 = vector.shape_cast %swap3A_50 : vector<16xf32> to vector<16xf32>
    %swap3A_52 = vector.shape_cast %broadcast_in_dim3A_48 : vector<16xf32> to vector<16xf32>
    tpu.vector_store %arg11[%swap3A_49], %swap3A_52 {strides = array<i32>} : memref<128xf32, #tpu.memory_space<vmem>>, vector<16xf32>,
    %broadcast_in_dim3A_53 = arith.constant 0.000000e+00 : f32
    %broadcast_in_dim3A_54 = vector.broadcast %broadcast_in_dim3A_53 : f32 to vector<16xf32>
    %swap3A_55 = arith.constant 64 : index
    %swap3A_56 = tpu.vector_load %arg12[%swap3A_55] {strides = array<i32>} : memref<128xf32, #tpu.memory_space<vmem>>, vector<16xf32>,
    %swap3A_57 = vector.shape_cast %swap3A_56 : vector<16xf32> to vector<16xf32>
    %swap3A_58 = vector.shape_cast %broadcast_in_dim3A_54 : vector<16xf32> to vector<16xf32>
    tpu.vector_store %arg12[%swap3A_55], %swap3A_58 {strides = array<i32>} : memref<128xf32, #tpu.memory_space<vmem>>, vector<16xf32>,
    %broadcast_in_dim3A_59 = arith.constant 1.000000e+00 : f32
    %broadcast_in_dim3A_60 = vector.broadcast %broadcast_in_dim3A_59 : f32 to vector<16xf32>
    %swap3A_61 = arith.constant 80 : index
    %swap3A_62 = tpu.vector_load %arg11[%swap3A_61] {strides = array<i32>} : memref<128xf32, #tpu.memory_space<vmem>>, vector<16xf32>,
    %swap3A_63 = vector.shape_cast %swap3A_62 : vector<16xf32> to vector<16xf32>
    %swap3A_64 = vector.shape_cast %broadcast_in_dim3A_60 : vector<16xf32> to vector<16xf32>
    tpu.vector_store %arg11[%swap3A_61], %swap3A_64 {strides = array<i32>} : memref<128xf32, #tpu.memory_space<vmem>>, vector<16xf32>,
    %broadcast_in_dim3A_65 = arith.constant 0.000000e+00 : f32
    %broadcast_in_dim3A_66 = vector.broadcast %broadcast_in_dim3A_65 : f32 to vector<16xf32>
    %swap3A_67 = arith.constant 80 : index
    %swap3A_68 = tpu.vector_load %arg12[%swap3A_67] {strides = array<i32>} : memref<128xf32, #tpu.memory_space<vmem>>, vector<16xf32>,
    %swap3A_69 = vector.shape_cast %swap3A_68 : vector<16xf32> to vector<16xf32>
    %swap3A_70 = vector.shape_cast %broadcast_in_dim3A_66 : vector<16xf32> to vector<16xf32>
    tpu.vector_store %arg12[%swap3A_67], %swap3A_70 {strides = array<i32>} : memref<128xf32, #tpu.memory_space<vmem>>, vector<16xf32>,
    %broadcast_in_dim3A_71 = arith.constant 1.000000e+00 : f32
    %broadcast_in_dim3A_72 = vector.broadcast %broadcast_in_dim3A_71 : f32 to vector<16xf32>
    %swap3A_73 = arith.constant 96 : index
    %swap3A_74 = tpu.vector_load %arg11[%swap3A_73] {strides = array<i32>} : memref<128xf32, #tpu.memory_space<vmem>>, vector<16xf32>,
    %swap3A_75 = vector.shape_cast %swap3A_74 : vector<16xf32> to vector<16xf32>
    %swap3A_76 = vector.shape_cast %broadcast_in_dim3A_72 : vector<16xf32> to vector<16xf32>
    tpu.vector_store %arg11[%swap3A_73], %swap3A_76 {strides = array<i32>} : memref<128xf32, #tpu.memory_space<vmem>>, vector<16xf32>,
    %broadcast_in_dim3A_77 = arith.constant 0.000000e+00 : f32
    %broadcast_in_dim3A_78 = vector.broadcast %broadcast_in_dim3A_77 : f32 to vector<16xf32>
    %swap3A_79 = arith.constant 96 : index
    %swap3A_80 = tpu.vector_load %arg12[%swap3A_79] {strides = array<i32>} : memref<128xf32, #tpu.memory_space<vmem>>, vector<16xf32>,
    %swap3A_81 = vector.shape_cast %swap3A_80 : vector<16xf32> to vector<16xf32>
    %swap3A_82 = vector.shape_cast %broadcast_in_dim3A_78 : vector<16xf32> to vector<16xf32>
    tpu.vector_store %arg12[%swap3A_79], %swap3A_82 {strides = array<i32>} : memref<128xf32, #tpu.memory_space<vmem>>, vector<16xf32>,
    %broadcast_in_dim3A_83 = arith.constant 1.000000e+00 : f32
    %broadcast_in_dim3A_84 = vector.broadcast %broadcast_in_dim3A_83 : f32 to vector<16xf32>
    %swap3A_85 = arith.constant 112 : index
    %swap3A_86 = tpu.vector_load %arg11[%swap3A_85] {strides = array<i32>} : memref<128xf32, #tpu.memory_space<vmem>>, vector<16xf32>,
    %swap3A_87 = vector.shape_cast %swap3A_86 : vector<16xf32> to vector<16xf32>
    %swap3A_88 = vector.shape_cast %broadcast_in_dim3A_84 : vector<16xf32> to vector<16xf32>
    tpu.vector_store %arg11[%swap3A_85], %swap3A_88 {strides = array<i32>} : memref<128xf32, #tpu.memory_space<vmem>>, vector<16xf32>,
    %broadcast_in_dim3A_89 = arith.constant 0.000000e+00 : f32
    %broadcast_in_dim3A_90 = vector.broadcast %broadcast_in_dim3A_89 : f32 to vector<16xf32>
    %swap3A_91 = arith.constant 112 : index
    %swap3A_92 = tpu.vector_load %arg12[%swap3A_91] {strides = array<i32>} : memref<128xf32, #tpu.memory_space<vmem>>, vector<16xf32>,
    %swap3A_93 = vector.shape_cast %swap3A_92 : vector<16xf32> to vector<16xf32>
    %swap3A_94 = vector.shape_cast %broadcast_in_dim3A_90 : vector<16xf32> to vector<16xf32>
    tpu.vector_store %arg12[%swap3A_91], %swap3A_94 {strides = array<i32>} : memref<128xf32, #tpu.memory_space<vmem>>, vector<16xf32>,
    %scan3A = arith.constant 0 : i32
    %scan3A_95 = arith.constant 0 : i32
    %scan3A_96 = arith.constant 128 : i32
    %scan3A_97 = arith.addi %scan3A_95, %scan3A_96 : i32
    %scan3A_98 = arith.constant 1 : i32
    scf.for %scan3A_315 = %scan3A_95 to %scan3A_97 step %scan3A_98  : i32 {
      %broadcast_in_dim3A_316 = arith.constant 0.000000e+00 : bf16
      %broadcast_in_dim3A_317 = vector.broadcast %broadcast_in_dim3A_316 : bf16 to vector<32xbf16>
      %swap3A_318 = arith.constant 0 : i32
      %swap3A_319 = arith.index_cast %swap3A_318 : i32 to index
      %swap3A_320 = arith.index_cast %scan3A_315 : i32 to index
      %swap3A_321 = arith.constant 0 : index
      %swap3A_322 = tpu.vector_load %arg10[%swap3A_319, %swap3A_320, %swap3A_321] {strides = array<i32>} : memref<8x128x64xbf16, #tpu.memory_space<vmem>>, vector<1x1x32xbf16>,
      %swap3A_323 = vector.shape_cast %swap3A_322 : vector<1x1x32xbf16> to vector<32xbf16>
      %swap3A_324 = vector.shape_cast %broadcast_in_dim3A_317 : vector<32xbf16> to vector<1x1x32xbf16>
      tpu.vector_store %arg10[%swap3A_319, %swap3A_320, %swap3A_321], %swap3A_324 {strides = array<i32>} : memref<8x128x64xbf16, #tpu.memory_space<vmem>>, vector<1x1x32xbf16>,
      %broadcast_in_dim3A_325 = arith.constant 0.000000e+00 : bf16
      %broadcast_in_dim3A_326 = vector.broadcast %broadcast_in_dim3A_325 : bf16 to vector<32xbf16>
      %swap3A_327 = arith.constant 0 : i32
      %swap3A_328 = arith.index_cast %swap3A_327 : i32 to index
      %swap3A_329 = arith.index_cast %scan3A_315 : i32 to index
      %swap3A_330 = arith.constant 32 : index
      %swap3A_331 = tpu.vector_load %arg10[%swap3A_328, %swap3A_329, %swap3A_330] {strides = array<i32>} : memref<8x128x64xbf16, #tpu.memory_space<vmem>>, vector<1x1x32xbf16>,
      %swap3A_332 = vector.shape_cast %swap3A_331 : vector<1x1x32xbf16> to vector<32xbf16>
      %swap3A_333 = vector.shape_cast %broadcast_in_dim3A_326 : vector<32xbf16> to vector<1x1x32xbf16>
      tpu.vector_store %arg10[%swap3A_328, %swap3A_329, %swap3A_330], %swap3A_333 {strides = array<i32>} : memref<8x128x64xbf16, #tpu.memory_space<vmem>>, vector<1x1x32xbf16>,
    }
    %scan3A_99 = arith.constant 128 : i32
    %mul3A = arith.constant 640 : i32
    %mul3A_100 = arith.muli %arg1, %mul3A : i32
    %add3A = arith.constant 0 : i32
    %add3A_101 = arith.addi %mul3A_100, %add3A : i32
    %run_scoped3A = arith.constant 0 : i32
    "tpu.region"() ({
      %run_scoped3A_315 = tpu.sem_alloc : memref<!tpu.dma_semaphore, #tpu.memory_space<semaphore_mem>>
      %dma_start3A_316 = arith.constant 0 : i32
      %dma_start3A_317 = arith.constant 0 : i32
      %dma_start3A_318 = tpu.memref_slice %arg10[%run_scoped3A, %dma_start3A_316, %dma_start3A_317] : memref<8x128x64xbf16, #tpu.memory_space<vmem>> -> memref<1x128x64xbf16, #tpu.memory_space<vmem>>
      %dma_start3A_319 = tpu.memref_squeeze %dma_start3A_318 : memref<1x128x64xbf16, #tpu.memory_space<vmem>> -> memref<128x64xbf16, #tpu.memory_space<vmem>>
      %dma_start3A_320 = arith.constant 0 : i32
      %dma_start3A_321 = tpu.memref_slice %arg13[%add3A_101, %dma_start3A_320] : memref<10240x64xbf16, #tpu.memory_space<vmem_shared>> -> memref<128x64xbf16, #tpu.memory_space<vmem_shared>>
      %dma_start3A_322 = arith.constant 0 : i32
      %dma_start3A_323 = tpu.memref_slice %arg13[%add3A_101, %dma_start3A_322] : memref<10240x64xbf16, #tpu.memory_space<vmem_shared>> -> memref<128x64xbf16, #tpu.memory_space<vmem_shared>>
      %dma_start3A_324 = arith.constant 0 : i32
      %dma_start3A_325 = arith.constant 0 : i32
      %dma_start3A_326 = tpu.memref_slice %arg10[%run_scoped3A, %dma_start3A_324, %dma_start3A_325] : memref<8x128x64xbf16, #tpu.memory_space<vmem>> -> memref<1x128x64xbf16, #tpu.memory_space<vmem>>
      %dma_start3A_327 = tpu.memref_squeeze %dma_start3A_326 : memref<1x128x64xbf16, #tpu.memory_space<vmem>> -> memref<128x64xbf16, #tpu.memory_space<vmem>>
      tpu.enqueue_dma source(%dma_start3A_327 : memref<128x64xbf16, #tpu.memory_space<vmem>>) target(%dma_start3A_323 : memref<128x64xbf16, #tpu.memory_space<vmem_shared>>) target_semaphore(%run_scoped3A_315 : memref<!tpu.dma_semaphore, #tpu.memory_space<semaphore_mem>>)
      %dma_wait3A_328 = arith.constant 0 : i32
      %dma_wait3A_329 = arith.constant 0 : i32
      %dma_wait3A_330 = tpu.memref_slice %arg10[%run_scoped3A, %dma_wait3A_328, %dma_wait3A_329] : memref<8x128x64xbf16, #tpu.memory_space<vmem>> -> memref<1x128x64xbf16, #tpu.memory_space<vmem>>
      %dma_wait3A_331 = tpu.memref_squeeze %dma_wait3A_330 : memref<1x128x64xbf16, #tpu.memory_space<vmem>> -> memref<128x64xbf16, #tpu.memory_space<vmem>>
      %dma_wait3A_332 = arith.constant 0 : i32
      %dma_wait3A_333 = tpu.memref_slice %arg13[%add3A_101, %dma_wait3A_332] : memref<10240x64xbf16, #tpu.memory_space<vmem_shared>> -> memref<128x64xbf16, #tpu.memory_space<vmem_shared>>
      %dma_wait3A_334 = arith.constant 0 : i32
      %dma_wait3A_335 = tpu.memref_slice %arg13[%add3A_101, %dma_wait3A_334] : memref<10240x64xbf16, #tpu.memory_space<vmem_shared>> -> memref<128x64xbf16, #tpu.memory_space<vmem_shared>>
      %dma_wait3A_336 = arith.constant 0 : i32
      %dma_wait3A_337 = arith.constant 0 : i32
      %dma_wait3A_338 = tpu.memref_slice %arg10[%run_scoped3A, %dma_wait3A_336, %dma_wait3A_337] : memref<8x128x64xbf16, #tpu.memory_space<vmem>> -> memref<1x128x64xbf16, #tpu.memory_space<vmem>>
      %dma_wait3A_339 = tpu.memref_squeeze %dma_wait3A_338 : memref<1x128x64xbf16, #tpu.memory_space<vmem>> -> memref<128x64xbf16, #tpu.memory_space<vmem>>
      tpu.wait_dma2 semaphore(%run_scoped3A_315 : memref<!tpu.dma_semaphore, #tpu.memory_space<semaphore_mem>>) src(%dma_wait3A_339 : memref<128x64xbf16, #tpu.memory_space<vmem>>) dst(%dma_wait3A_335 : memref<128x64xbf16, #tpu.memory_space<vmem_shared>>)
      tpu.yield
    }) : () -> ()
    %mul3A_102 = arith.constant 640 : i32
    %mul3A_103 = arith.muli %arg1, %mul3A_102 : i32
    %add3A_104 = arith.constant 128 : i32
    %add3A_105 = arith.addi %mul3A_103, %add3A_104 : i32
    %run_scoped3A_106 = arith.constant 0 : i32
    "tpu.region"() ({
      %run_scoped3A_315 = tpu.sem_alloc : memref<!tpu.dma_semaphore, #tpu.memory_space<semaphore_mem>>
      %dma_start3A_316 = arith.constant 0 : i32
      %dma_start3A_317 = arith.constant 0 : i32
      %dma_start3A_318 = tpu.memref_slice %arg10[%run_scoped3A_106, %dma_start3A_316, %dma_start3A_317] : memref<8x128x64xbf16, #tpu.memory_space<vmem>> -> memref<1x128x64xbf16, #tpu.memory_space<vmem>>
      %dma_start3A_319 = tpu.memref_squeeze %dma_start3A_318 : memref<1x128x64xbf16, #tpu.memory_space<vmem>> -> memref<128x64xbf16, #tpu.memory_space<vmem>>
      %dma_start3A_320 = arith.constant 0 : i32
      %dma_start3A_321 = tpu.memref_slice %arg13[%add3A_105, %dma_start3A_320] : memref<10240x64xbf16, #tpu.memory_space<vmem_shared>> -> memref<128x64xbf16, #tpu.memory_space<vmem_shared>>
      %dma_start3A_322 = arith.constant 0 : i32
      %dma_start3A_323 = tpu.memref_slice %arg13[%add3A_105, %dma_start3A_322] : memref<10240x64xbf16, #tpu.memory_space<vmem_shared>> -> memref<128x64xbf16, #tpu.memory_space<vmem_shared>>
      %dma_start3A_324 = arith.constant 0 : i32
      %dma_start3A_325 = arith.constant 0 : i32
      %dma_start3A_326 = tpu.memref_slice %arg10[%run_scoped3A_106, %dma_start3A_324, %dma_start3A_325] : memref<8x128x64xbf16, #tpu.memory_space<vmem>> -> memref<1x128x64xbf16, #tpu.memory_space<vmem>>
      %dma_start3A_327 = tpu.memref_squeeze %dma_start3A_326 : memref<1x128x64xbf16, #tpu.memory_space<vmem>> -> memref<128x64xbf16, #tpu.memory_space<vmem>>
      tpu.enqueue_dma source(%dma_start3A_327 : memref<128x64xbf16, #tpu.memory_space<vmem>>) target(%dma_start3A_323 : memref<128x64xbf16, #tpu.memory_space<vmem_shared>>) target_semaphore(%run_scoped3A_315 : memref<!tpu.dma_semaphore, #tpu.memory_space<semaphore_mem>>)
      %dma_wait3A_328 = arith.constant 0 : i32
      %dma_wait3A_329 = arith.constant 0 : i32
      %dma_wait3A_330 = tpu.memref_slice %arg10[%run_scoped3A_106, %dma_wait3A_328, %dma_wait3A_329] : memref<8x128x64xbf16, #tpu.memory_space<vmem>> -> memref<1x128x64xbf16, #tpu.memory_space<vmem>>
      %dma_wait3A_331 = tpu.memref_squeeze %dma_wait3A_330 : memref<1x128x64xbf16, #tpu.memory_space<vmem>> -> memref<128x64xbf16, #tpu.memory_space<vmem>>
      %dma_wait3A_332 = arith.constant 0 : i32
      %dma_wait3A_333 = tpu.memref_slice %arg13[%add3A_105, %dma_wait3A_332] : memref<10240x64xbf16, #tpu.memory_space<vmem_shared>> -> memref<128x64xbf16, #tpu.memory_space<vmem_shared>>
      %dma_wait3A_334 = arith.constant 0 : i32
      %dma_wait3A_335 = tpu.memref_slice %arg13[%add3A_105, %dma_wait3A_334] : memref<10240x64xbf16, #tpu.memory_space<vmem_shared>> -> memref<128x64xbf16, #tpu.memory_space<vmem_shared>>
      %dma_wait3A_336 = arith.constant 0 : i32
      %dma_wait3A_337 = arith.constant 0 : i32
      %dma_wait3A_338 = tpu.memref_slice %arg10[%run_scoped3A_106, %dma_wait3A_336, %dma_wait3A_337] : memref<8x128x64xbf16, #tpu.memory_space<vmem>> -> memref<1x128x64xbf16, #tpu.memory_space<vmem>>
      %dma_wait3A_339 = tpu.memref_squeeze %dma_wait3A_338 : memref<1x128x64xbf16, #tpu.memory_space<vmem>> -> memref<128x64xbf16, #tpu.memory_space<vmem>>
      tpu.wait_dma2 semaphore(%run_scoped3A_315 : memref<!tpu.dma_semaphore, #tpu.memory_space<semaphore_mem>>) src(%dma_wait3A_339 : memref<128x64xbf16, #tpu.memory_space<vmem>>) dst(%dma_wait3A_335 : memref<128x64xbf16, #tpu.memory_space<vmem_shared>>)
      tpu.yield
    }) : () -> ()
    %mul3A_107 = arith.constant 640 : i32
    %mul3A_108 = arith.muli %arg1, %mul3A_107 : i32
    %add3A_109 = arith.constant 256 : i32
    %add3A_110 = arith.addi %mul3A_108, %add3A_109 : i32
    %run_scoped3A_111 = arith.constant 0 : i32
    "tpu.region"() ({
      %run_scoped3A_315 = tpu.sem_alloc : memref<!tpu.dma_semaphore, #tpu.memory_space<semaphore_mem>>
      %dma_start3A_316 = arith.constant 0 : i32
      %dma_start3A_317 = arith.constant 0 : i32
      %dma_start3A_318 = tpu.memref_slice %arg10[%run_scoped3A_111, %dma_start3A_316, %dma_start3A_317] : memref<8x128x64xbf16, #tpu.memory_space<vmem>> -> memref<1x128x64xbf16, #tpu.memory_space<vmem>>
      %dma_start3A_319 = tpu.memref_squeeze %dma_start3A_318 : memref<1x128x64xbf16, #tpu.memory_space<vmem>> -> memref<128x64xbf16, #tpu.memory_space<vmem>>
      %dma_start3A_320 = arith.constant 0 : i32
      %dma_start3A_321 = tpu.memref_slice %arg13[%add3A_110, %dma_start3A_320] : memref<10240x64xbf16, #tpu.memory_space<vmem_shared>> -> memref<128x64xbf16, #tpu.memory_space<vmem_shared>>
      %dma_start3A_322 = arith.constant 0 : i32
      %dma_start3A_323 = tpu.memref_slice %arg13[%add3A_110, %dma_start3A_322] : memref<10240x64xbf16, #tpu.memory_space<vmem_shared>> -> memref<128x64xbf16, #tpu.memory_space<vmem_shared>>
      %dma_start3A_324 = arith.constant 0 : i32
      %dma_start3A_325 = arith.constant 0 : i32
      %dma_start3A_326 = tpu.memref_slice %arg10[%run_scoped3A_111, %dma_start3A_324, %dma_start3A_325] : memref<8x128x64xbf16, #tpu.memory_space<vmem>> -> memref<1x128x64xbf16, #tpu.memory_space<vmem>>
      %dma_start3A_327 = tpu.memref_squeeze %dma_start3A_326 : memref<1x128x64xbf16, #tpu.memory_space<vmem>> -> memref<128x64xbf16, #tpu.memory_space<vmem>>
      tpu.enqueue_dma source(%dma_start3A_327 : memref<128x64xbf16, #tpu.memory_space<vmem>>) target(%dma_start3A_323 : memref<128x64xbf16, #tpu.memory_space<vmem_shared>>) target_semaphore(%run_scoped3A_315 : memref<!tpu.dma_semaphore, #tpu.memory_space<semaphore_mem>>)
      %dma_wait3A_328 = arith.constant 0 : i32
      %dma_wait3A_329 = arith.constant 0 : i32
      %dma_wait3A_330 = tpu.memref_slice %arg10[%run_scoped3A_111, %dma_wait3A_328, %dma_wait3A_329] : memref<8x128x64xbf16, #tpu.memory_space<vmem>> -> memref<1x128x64xbf16, #tpu.memory_space<vmem>>
      %dma_wait3A_331 = tpu.memref_squeeze %dma_wait3A_330 : memref<1x128x64xbf16, #tpu.memory_space<vmem>> -> memref<128x64xbf16, #tpu.memory_space<vmem>>
      %dma_wait3A_332 = arith.constant 0 : i32
      %dma_wait3A_333 = tpu.memref_slice %arg13[%add3A_110, %dma_wait3A_332] : memref<10240x64xbf16, #tpu.memory_space<vmem_shared>> -> memref<128x64xbf16, #tpu.memory_space<vmem_shared>>
      %dma_wait3A_334 = arith.constant 0 : i32
      %dma_wait3A_335 = tpu.memref_slice %arg13[%add3A_110, %dma_wait3A_334] : memref<10240x64xbf16, #tpu.memory_space<vmem_shared>> -> memref<128x64xbf16, #tpu.memory_space<vmem_shared>>
      %dma_wait3A_336 = arith.constant 0 : i32
      %dma_wait3A_337 = arith.constant 0 : i32
      %dma_wait3A_338 = tpu.memref_slice %arg10[%run_scoped3A_111, %dma_wait3A_336, %dma_wait3A_337] : memref<8x128x64xbf16, #tpu.memory_space<vmem>> -> memref<1x128x64xbf16, #tpu.memory_space<vmem>>
      %dma_wait3A_339 = tpu.memref_squeeze %dma_wait3A_338 : memref<1x128x64xbf16, #tpu.memory_space<vmem>> -> memref<128x64xbf16, #tpu.memory_space<vmem>>
      tpu.wait_dma2 semaphore(%run_scoped3A_315 : memref<!tpu.dma_semaphore, #tpu.memory_space<semaphore_mem>>) src(%dma_wait3A_339 : memref<128x64xbf16, #tpu.memory_space<vmem>>) dst(%dma_wait3A_335 : memref<128x64xbf16, #tpu.memory_space<vmem_shared>>)
      tpu.yield
    }) : () -> ()
    %mul3A_112 = arith.constant 640 : i32
    %mul3A_113 = arith.muli %arg1, %mul3A_112 : i32
    %add3A_114 = arith.constant 384 : i32
    %add3A_115 = arith.addi %mul3A_113, %add3A_114 : i32
    %run_scoped3A_116 = arith.constant 0 : i32
    "tpu.region"() ({
      %run_scoped3A_315 = tpu.sem_alloc : memref<!tpu.dma_semaphore, #tpu.memory_space<semaphore_mem>>
      %dma_start3A_316 = arith.constant 0 : i32
      %dma_start3A_317 = arith.constant 0 : i32
      %dma_start3A_318 = tpu.memref_slice %arg10[%run_scoped3A_116, %dma_start3A_316, %dma_start3A_317] : memref<8x128x64xbf16, #tpu.memory_space<vmem>> -> memref<1x128x64xbf16, #tpu.memory_space<vmem>>
      %dma_start3A_319 = tpu.memref_squeeze %dma_start3A_318 : memref<1x128x64xbf16, #tpu.memory_space<vmem>> -> memref<128x64xbf16, #tpu.memory_space<vmem>>
      %dma_start3A_320 = arith.constant 0 : i32
      %dma_start3A_321 = tpu.memref_slice %arg13[%add3A_115, %dma_start3A_320] : memref<10240x64xbf16, #tpu.memory_space<vmem_shared>> -> memref<128x64xbf16, #tpu.memory_space<vmem_shared>>
      %dma_start3A_322 = arith.constant 0 : i32
      %dma_start3A_323 = tpu.memref_slice %arg13[%add3A_115, %dma_start3A_322] : memref<10240x64xbf16, #tpu.memory_space<vmem_shared>> -> memref<128x64xbf16, #tpu.memory_space<vmem_shared>>
      %dma_start3A_324 = arith.constant 0 : i32
      %dma_start3A_325 = arith.constant 0 : i32
      %dma_start3A_326 = tpu.memref_slice %arg10[%run_scoped3A_116, %dma_start3A_324, %dma_start3A_325] : memref<8x128x64xbf16, #tpu.memory_space<vmem>> -> memref<1x128x64xbf16, #tpu.memory_space<vmem>>
      %dma_start3A_327 = tpu.memref_squeeze %dma_start3A_326 : memref<1x128x64xbf16, #tpu.memory_space<vmem>> -> memref<128x64xbf16, #tpu.memory_space<vmem>>
      tpu.enqueue_dma source(%dma_start3A_327 : memref<128x64xbf16, #tpu.memory_space<vmem>>) target(%dma_start3A_323 : memref<128x64xbf16, #tpu.memory_space<vmem_shared>>) target_semaphore(%run_scoped3A_315 : memref<!tpu.dma_semaphore, #tpu.memory_space<semaphore_mem>>)
      %dma_wait3A_328 = arith.constant 0 : i32
      %dma_wait3A_329 = arith.constant 0 : i32
      %dma_wait3A_330 = tpu.memref_slice %arg10[%run_scoped3A_116, %dma_wait3A_328, %dma_wait3A_329] : memref<8x128x64xbf16, #tpu.memory_space<vmem>> -> memref<1x128x64xbf16, #tpu.memory_space<vmem>>
      %dma_wait3A_331 = tpu.memref_squeeze %dma_wait3A_330 : memref<1x128x64xbf16, #tpu.memory_space<vmem>> -> memref<128x64xbf16, #tpu.memory_space<vmem>>
      %dma_wait3A_332 = arith.constant 0 : i32
      %dma_wait3A_333 = tpu.memref_slice %arg13[%add3A_115, %dma_wait3A_332] : memref<10240x64xbf16, #tpu.memory_space<vmem_shared>> -> memref<128x64xbf16, #tpu.memory_space<vmem_shared>>
      %dma_wait3A_334 = arith.constant 0 : i32
      %dma_wait3A_335 = tpu.memref_slice %arg13[%add3A_115, %dma_wait3A_334] : memref<10240x64xbf16, #tpu.memory_space<vmem_shared>> -> memref<128x64xbf16, #tpu.memory_space<vmem_shared>>
      %dma_wait3A_336 = arith.constant 0 : i32
      %dma_wait3A_337 = arith.constant 0 : i32
      %dma_wait3A_338 = tpu.memref_slice %arg10[%run_scoped3A_116, %dma_wait3A_336, %dma_wait3A_337] : memref<8x128x64xbf16, #tpu.memory_space<vmem>> -> memref<1x128x64xbf16, #tpu.memory_space<vmem>>
      %dma_wait3A_339 = tpu.memref_squeeze %dma_wait3A_338 : memref<1x128x64xbf16, #tpu.memory_space<vmem>> -> memref<128x64xbf16, #tpu.memory_space<vmem>>
      tpu.wait_dma2 semaphore(%run_scoped3A_315 : memref<!tpu.dma_semaphore, #tpu.memory_space<semaphore_mem>>) src(%dma_wait3A_339 : memref<128x64xbf16, #tpu.memory_space<vmem>>) dst(%dma_wait3A_335 : memref<128x64xbf16, #tpu.memory_space<vmem_shared>>)
      tpu.yield
    }) : () -> ()
    %mul3A_117 = arith.constant 640 : i32
    %mul3A_118 = arith.muli %arg1, %mul3A_117 : i32
    %add3A_119 = arith.constant 512 : i32
    %add3A_120 = arith.addi %mul3A_118, %add3A_119 : i32
    %run_scoped3A_121 = arith.constant 0 : i32
    "tpu.region"() ({
      %run_scoped3A_315 = tpu.sem_alloc : memref<!tpu.dma_semaphore, #tpu.memory_space<semaphore_mem>>
      %dma_start3A_316 = arith.constant 0 : i32
      %dma_start3A_317 = arith.constant 0 : i32
      %dma_start3A_318 = tpu.memref_slice %arg10[%run_scoped3A_121, %dma_start3A_316, %dma_start3A_317] : memref<8x128x64xbf16, #tpu.memory_space<vmem>> -> memref<1x128x64xbf16, #tpu.memory_space<vmem>>
      %dma_start3A_319 = tpu.memref_squeeze %dma_start3A_318 : memref<1x128x64xbf16, #tpu.memory_space<vmem>> -> memref<128x64xbf16, #tpu.memory_space<vmem>>
      %dma_start3A_320 = arith.constant 0 : i32
      %dma_start3A_321 = tpu.memref_slice %arg13[%add3A_120, %dma_start3A_320] : memref<10240x64xbf16, #tpu.memory_space<vmem_shared>> -> memref<128x64xbf16, #tpu.memory_space<vmem_shared>>
      %dma_start3A_322 = arith.constant 0 : i32
      %dma_start3A_323 = tpu.memref_slice %arg13[%add3A_120, %dma_start3A_322] : memref<10240x64xbf16, #tpu.memory_space<vmem_shared>> -> memref<128x64xbf16, #tpu.memory_space<vmem_shared>>
      %dma_start3A_324 = arith.constant 0 : i32
      %dma_start3A_325 = arith.constant 0 : i32
      %dma_start3A_326 = tpu.memref_slice %arg10[%run_scoped3A_121, %dma_start3A_324, %dma_start3A_325] : memref<8x128x64xbf16, #tpu.memory_space<vmem>> -> memref<1x128x64xbf16, #tpu.memory_space<vmem>>
      %dma_start3A_327 = tpu.memref_squeeze %dma_start3A_326 : memref<1x128x64xbf16, #tpu.memory_space<vmem>> -> memref<128x64xbf16, #tpu.memory_space<vmem>>
      tpu.enqueue_dma source(%dma_start3A_327 : memref<128x64xbf16, #tpu.memory_space<vmem>>) target(%dma_start3A_323 : memref<128x64xbf16, #tpu.memory_space<vmem_shared>>) target_semaphore(%run_scoped3A_315 : memref<!tpu.dma_semaphore, #tpu.memory_space<semaphore_mem>>)
      %dma_wait3A_328 = arith.constant 0 : i32
      %dma_wait3A_329 = arith.constant 0 : i32
      %dma_wait3A_330 = tpu.memref_slice %arg10[%run_scoped3A_121, %dma_wait3A_328, %dma_wait3A_329] : memref<8x128x64xbf16, #tpu.memory_space<vmem>> -> memref<1x128x64xbf16, #tpu.memory_space<vmem>>
      %dma_wait3A_331 = tpu.memref_squeeze %dma_wait3A_330 : memref<1x128x64xbf16, #tpu.memory_space<vmem>> -> memref<128x64xbf16, #tpu.memory_space<vmem>>
      %dma_wait3A_332 = arith.constant 0 : i32
      %dma_wait3A_333 = tpu.memref_slice %arg13[%add3A_120, %dma_wait3A_332] : memref<10240x64xbf16, #tpu.memory_space<vmem_shared>> -> memref<128x64xbf16, #tpu.memory_space<vmem_shared>>
      %dma_wait3A_334 = arith.constant 0 : i32
      %dma_wait3A_335 = tpu.memref_slice %arg13[%add3A_120, %dma_wait3A_334] : memref<10240x64xbf16, #tpu.memory_space<vmem_shared>> -> memref<128x64xbf16, #tpu.memory_space<vmem_shared>>
      %dma_wait3A_336 = arith.constant 0 : i32
      %dma_wait3A_337 = arith.constant 0 : i32
      %dma_wait3A_338 = tpu.memref_slice %arg10[%run_scoped3A_121, %dma_wait3A_336, %dma_wait3A_337] : memref<8x128x64xbf16, #tpu.memory_space<vmem>> -> memref<1x128x64xbf16, #tpu.memory_space<vmem>>
      %dma_wait3A_339 = tpu.memref_squeeze %dma_wait3A_338 : memref<1x128x64xbf16, #tpu.memory_space<vmem>> -> memref<128x64xbf16, #tpu.memory_space<vmem>>
      tpu.wait_dma2 semaphore(%run_scoped3A_315 : memref<!tpu.dma_semaphore, #tpu.memory_space<semaphore_mem>>) src(%dma_wait3A_339 : memref<128x64xbf16, #tpu.memory_space<vmem>>) dst(%dma_wait3A_335 : memref<128x64xbf16, #tpu.memory_space<vmem_shared>>)
      tpu.yield
    }) : () -> ()
    %convert_element_type3A = arith.extui %eq3A_0 : i1 to i32
    %cond3A = arith.constant 0 : i32
    %cond3A_122 = arith.cmpi ne, %convert_element_type3A, %cond3A : i32
    scf.if %cond3A_122 {
      %mul3A_315 = arith.constant 640 : i32
      %mul3A_316 = arith.muli %arg1, %mul3A_315 : i32
      %add3A_317 = arith.constant 0 : i32
      %add3A_318 = arith.addi %mul3A_316, %add3A_317 : i32
      "tpu.region"() ({
        %run_scoped3A_335 = tpu.sem_alloc : memref<!tpu.dma_semaphore, #tpu.memory_space<semaphore_mem>>
        %dma_start3A_336 = tpu.memref_slice %arg14[%add3A_318] : memref<10240xf32, #tpu.memory_space<vmem_shared>> -> memref<128xf32, #tpu.memory_space<vmem_shared>>
        %dma_start3A_337 = tpu.memref_slice %arg14[%add3A_318] : memref<10240xf32, #tpu.memory_space<vmem_shared>> -> memref<128xf32, #tpu.memory_space<vmem_shared>>
        tpu.enqueue_dma source(%arg12 : memref<128xf32, #tpu.memory_space<vmem>>) target(%dma_start3A_337 : memref<128xf32, #tpu.memory_space<vmem_shared>>) target_semaphore(%run_scoped3A_335 : memref<!tpu.dma_semaphore, #tpu.memory_space<semaphore_mem>>)
        %dma_wait3A_338 = tpu.memref_slice %arg14[%add3A_318] : memref<10240xf32, #tpu.memory_space<vmem_shared>> -> memref<128xf32, #tpu.memory_space<vmem_shared>>
        %dma_wait3A_339 = tpu.memref_slice %arg14[%add3A_318] : memref<10240xf32, #tpu.memory_space<vmem_shared>> -> memref<128xf32, #tpu.memory_space<vmem_shared>>
        tpu.wait_dma2 semaphore(%run_scoped3A_335 : memref<!tpu.dma_semaphore, #tpu.memory_space<semaphore_mem>>) src(%arg12 : memref<128xf32, #tpu.memory_space<vmem>>) dst(%dma_wait3A_339 : memref<128xf32, #tpu.memory_space<vmem_shared>>)
        tpu.yield
      }) : () -> ()
      %mul3A_319 = arith.constant 640 : i32
      %mul3A_320 = arith.muli %arg1, %mul3A_319 : i32
      %add3A_321 = arith.constant 128 : i32
      %add3A_322 = arith.addi %mul3A_320, %add3A_321 : i32
      "tpu.region"() ({
        %run_scoped3A_335 = tpu.sem_alloc : memref<!tpu.dma_semaphore, #tpu.memory_space<semaphore_mem>>
        %dma_start3A_336 = tpu.memref_slice %arg14[%add3A_322] : memref<10240xf32, #tpu.memory_space<vmem_shared>> -> memref<128xf32, #tpu.memory_space<vmem_shared>>
        %dma_start3A_337 = tpu.memref_slice %arg14[%add3A_322] : memref<10240xf32, #tpu.memory_space<vmem_shared>> -> memref<128xf32, #tpu.memory_space<vmem_shared>>
        tpu.enqueue_dma source(%arg12 : memref<128xf32, #tpu.memory_space<vmem>>) target(%dma_start3A_337 : memref<128xf32, #tpu.memory_space<vmem_shared>>) target_semaphore(%run_scoped3A_335 : memref<!tpu.dma_semaphore, #tpu.memory_space<semaphore_mem>>)
        %dma_wait3A_338 = tpu.memref_slice %arg14[%add3A_322] : memref<10240xf32, #tpu.memory_space<vmem_shared>> -> memref<128xf32, #tpu.memory_space<vmem_shared>>
        %dma_wait3A_339 = tpu.memref_slice %arg14[%add3A_322] : memref<10240xf32, #tpu.memory_space<vmem_shared>> -> memref<128xf32, #tpu.memory_space<vmem_shared>>
        tpu.wait_dma2 semaphore(%run_scoped3A_335 : memref<!tpu.dma_semaphore, #tpu.memory_space<semaphore_mem>>) src(%arg12 : memref<128xf32, #tpu.memory_space<vmem>>) dst(%dma_wait3A_339 : memref<128xf32, #tpu.memory_space<vmem_shared>>)
        tpu.yield
      }) : () -> ()
      %mul3A_323 = arith.constant 640 : i32
      %mul3A_324 = arith.muli %arg1, %mul3A_323 : i32
      %add3A_325 = arith.constant 256 : i32
      %add3A_326 = arith.addi %mul3A_324, %add3A_325 : i32
      "tpu.region"() ({
        %run_scoped3A_335 = tpu.sem_alloc : memref<!tpu.dma_semaphore, #tpu.memory_space<semaphore_mem>>
        %dma_start3A_336 = tpu.memref_slice %arg14[%add3A_326] : memref<10240xf32, #tpu.memory_space<vmem_shared>> -> memref<128xf32, #tpu.memory_space<vmem_shared>>
        %dma_start3A_337 = tpu.memref_slice %arg14[%add3A_326] : memref<10240xf32, #tpu.memory_space<vmem_shared>> -> memref<128xf32, #tpu.memory_space<vmem_shared>>
        tpu.enqueue_dma source(%arg12 : memref<128xf32, #tpu.memory_space<vmem>>) target(%dma_start3A_337 : memref<128xf32, #tpu.memory_space<vmem_shared>>) target_semaphore(%run_scoped3A_335 : memref<!tpu.dma_semaphore, #tpu.memory_space<semaphore_mem>>)
        %dma_wait3A_338 = tpu.memref_slice %arg14[%add3A_326] : memref<10240xf32, #tpu.memory_space<vmem_shared>> -> memref<128xf32, #tpu.memory_space<vmem_shared>>
        %dma_wait3A_339 = tpu.memref_slice %arg14[%add3A_326] : memref<10240xf32, #tpu.memory_space<vmem_shared>> -> memref<128xf32, #tpu.memory_space<vmem_shared>>
        tpu.wait_dma2 semaphore(%run_scoped3A_335 : memref<!tpu.dma_semaphore, #tpu.memory_space<semaphore_mem>>) src(%arg12 : memref<128xf32, #tpu.memory_space<vmem>>) dst(%dma_wait3A_339 : memref<128xf32, #tpu.memory_space<vmem_shared>>)
        tpu.yield
      }) : () -> ()
      %mul3A_327 = arith.constant 640 : i32
      %mul3A_328 = arith.muli %arg1, %mul3A_327 : i32
      %add3A_329 = arith.constant 384 : i32
      %add3A_330 = arith.addi %mul3A_328, %add3A_329 : i32
      "tpu.region"() ({
        %run_scoped3A_335 = tpu.sem_alloc : memref<!tpu.dma_semaphore, #tpu.memory_space<semaphore_mem>>
        %dma_start3A_336 = tpu.memref_slice %arg14[%add3A_330] : memref<10240xf32, #tpu.memory_space<vmem_shared>> -> memref<128xf32, #tpu.memory_space<vmem_shared>>
        %dma_start3A_337 = tpu.memref_slice %arg14[%add3A_330] : memref<10240xf32, #tpu.memory_space<vmem_shared>> -> memref<128xf32, #tpu.memory_space<vmem_shared>>
        tpu.enqueue_dma source(%arg12 : memref<128xf32, #tpu.memory_space<vmem>>) target(%dma_start3A_337 : memref<128xf32, #tpu.memory_space<vmem_shared>>) target_semaphore(%run_scoped3A_335 : memref<!tpu.dma_semaphore, #tpu.memory_space<semaphore_mem>>)
        %dma_wait3A_338 = tpu.memref_slice %arg14[%add3A_330] : memref<10240xf32, #tpu.memory_space<vmem_shared>> -> memref<128xf32, #tpu.memory_space<vmem_shared>>
        %dma_wait3A_339 = tpu.memref_slice %arg14[%add3A_330] : memref<10240xf32, #tpu.memory_space<vmem_shared>> -> memref<128xf32, #tpu.memory_space<vmem_shared>>
        tpu.wait_dma2 semaphore(%run_scoped3A_335 : memref<!tpu.dma_semaphore, #tpu.memory_space<semaphore_mem>>) src(%arg12 : memref<128xf32, #tpu.memory_space<vmem>>) dst(%dma_wait3A_339 : memref<128xf32, #tpu.memory_space<vmem_shared>>)
        tpu.yield
      }) : () -> ()
      %mul3A_331 = arith.constant 640 : i32
      %mul3A_332 = arith.muli %arg1, %mul3A_331 : i32
      %add3A_333 = arith.constant 512 : i32
      %add3A_334 = arith.addi %mul3A_332, %add3A_333 : i32
      "tpu.region"() ({
        %run_scoped3A_335 = tpu.sem_alloc : memref<!tpu.dma_semaphore, #tpu.memory_space<semaphore_mem>>
        %dma_start3A_336 = tpu.memref_slice %arg14[%add3A_334] : memref<10240xf32, #tpu.memory_space<vmem_shared>> -> memref<128xf32, #tpu.memory_space<vmem_shared>>
        %dma_start3A_337 = tpu.memref_slice %arg14[%add3A_334] : memref<10240xf32, #tpu.memory_space<vmem_shared>> -> memref<128xf32, #tpu.memory_space<vmem_shared>>
        tpu.enqueue_dma source(%arg12 : memref<128xf32, #tpu.memory_space<vmem>>) target(%dma_start3A_337 : memref<128xf32, #tpu.memory_space<vmem_shared>>) target_semaphore(%run_scoped3A_335 : memref<!tpu.dma_semaphore, #tpu.memory_space<semaphore_mem>>)
        %dma_wait3A_338 = tpu.memref_slice %arg14[%add3A_334] : memref<10240xf32, #tpu.memory_space<vmem_shared>> -> memref<128xf32, #tpu.memory_space<vmem_shared>>
        %dma_wait3A_339 = tpu.memref_slice %arg14[%add3A_334] : memref<10240xf32, #tpu.memory_space<vmem_shared>> -> memref<128xf32, #tpu.memory_space<vmem_shared>>
        tpu.wait_dma2 semaphore(%run_scoped3A_335 : memref<!tpu.dma_semaphore, #tpu.memory_space<semaphore_mem>>) src(%arg12 : memref<128xf32, #tpu.memory_space<vmem>>) dst(%dma_wait3A_339 : memref<128xf32, #tpu.memory_space<vmem_shared>>)
        tpu.yield
      }) : () -> ()
    } else {
    }
    %convert_element_type3A_123 = arith.extui %eq3A_0 : i1 to i32
    %cond3A_124 = arith.constant 0 : i32
    %cond3A_125 = arith.cmpi ne, %convert_element_type3A_123, %cond3A_124 : i32
    scf.if %cond3A_125 {
      %mul3A_315 = arith.constant 160 : i32
      %mul3A_316 = arith.muli %arg1, %mul3A_315 : i32
      "tpu.region"() ({
        %run_scoped3A_317 = tpu.sem_alloc : memref<!tpu.dma_semaphore, #tpu.memory_space<semaphore_mem>>
        %dma_start3A_318 = arith.constant 0 : i32
        %dma_start3A_319 = tpu.memref_slice %arg3[%mul3A_316, %dma_start3A_318] : memref<2560x128xi32, #tpu.memory_space<hbm>> -> memref<160x128xi32, #tpu.memory_space<hbm>>
        %dma_start3A_320 = arith.constant 0 : i32
        %dma_start3A_321 = tpu.memref_slice %arg3[%mul3A_316, %dma_start3A_320] : memref<2560x128xi32, #tpu.memory_space<hbm>> -> memref<160x128xi32, #tpu.memory_space<hbm>>
        tpu.enqueue_dma source(%dma_start3A_321 : memref<160x128xi32, #tpu.memory_space<hbm>>) target(%arg8 : memref<160x128xi32, #tpu.memory_space<vmem>>) target_semaphore(%run_scoped3A_317 : memref<!tpu.dma_semaphore, #tpu.memory_space<semaphore_mem>>)
        %dma_wait3A_322 = arith.constant 0 : i32
        %dma_wait3A_323 = tpu.memref_slice %arg3[%mul3A_316, %dma_wait3A_322] : memref<2560x128xi32, #tpu.memory_space<hbm>> -> memref<160x128xi32, #tpu.memory_space<hbm>>
        %dma_wait3A_324 = arith.constant 0 : i32
        %dma_wait3A_325 = tpu.memref_slice %arg3[%mul3A_316, %dma_wait3A_324] : memref<2560x128xi32, #tpu.memory_space<hbm>> -> memref<160x128xi32, #tpu.memory_space<hbm>>
        tpu.wait_dma2 semaphore(%run_scoped3A_317 : memref<!tpu.dma_semaphore, #tpu.memory_space<semaphore_mem>>) src(%dma_wait3A_325 : memref<160x128xi32, #tpu.memory_space<hbm>>) dst(%arg8 : memref<160x128xi32, #tpu.memory_space<vmem>>)
        tpu.yield
      }) : () -> ()
    } else {
    }
    %not3A = arith.constant true
    %not3A_126 = arith.xori %eq3A_0, %not3A : i1
    %convert_element_type3A_127 = arith.extui %not3A_126 : i1 to i32
    %cond3A_128 = arith.constant 0 : i32
    %cond3A_129 = arith.cmpi ne, %convert_element_type3A_127, %cond3A_128 : i32
    scf.if %cond3A_129 {
      %mul3A_315 = arith.constant 160 : i32
      %mul3A_316 = arith.muli %arg1, %mul3A_315 : i32
      "tpu.region"() ({
        %run_scoped3A_317 = tpu.sem_alloc : memref<!tpu.dma_semaphore, #tpu.memory_space<semaphore_mem>>
        %dma_start3A_318 = arith.constant 0 : i32
        %dma_start3A_319 = tpu.memref_slice %arg4[%mul3A_316, %dma_start3A_318] : memref<2560x128xi32, #tpu.memory_space<hbm>> -> memref<160x128xi32, #tpu.memory_space<hbm>>
        %dma_start3A_320 = arith.constant 0 : i32
        %dma_start3A_321 = tpu.memref_slice %arg4[%mul3A_316, %dma_start3A_320] : memref<2560x128xi32, #tpu.memory_space<hbm>> -> memref<160x128xi32, #tpu.memory_space<hbm>>
        tpu.enqueue_dma source(%dma_start3A_321 : memref<160x128xi32, #tpu.memory_space<hbm>>) target(%arg8 : memref<160x128xi32, #tpu.memory_space<vmem>>) target_semaphore(%run_scoped3A_317 : memref<!tpu.dma_semaphore, #tpu.memory_space<semaphore_mem>>)
        %dma_wait3A_322 = arith.constant 0 : i32
        %dma_wait3A_323 = tpu.memref_slice %arg4[%mul3A_316, %dma_wait3A_322] : memref<2560x128xi32, #tpu.memory_space<hbm>> -> memref<160x128xi32, #tpu.memory_space<hbm>>
        %dma_wait3A_324 = arith.constant 0 : i32
        %dma_wait3A_325 = tpu.memref_slice %arg4[%mul3A_316, %dma_wait3A_324] : memref<2560x128xi32, #tpu.memory_space<hbm>> -> memref<160x128xi32, #tpu.memory_space<hbm>>
        tpu.wait_dma2 semaphore(%run_scoped3A_317 : memref<!tpu.dma_semaphore, #tpu.memory_space<semaphore_mem>>) src(%dma_wait3A_325 : memref<160x128xi32, #tpu.memory_space<hbm>>) dst(%arg8 : memref<160x128xi32, #tpu.memory_space<vmem>>)
        tpu.yield
      }) : () -> ()
    } else {
    }
    %mul3A_130 = arith.constant 160 : i32
    %mul3A_131 = arith.muli %arg1, %mul3A_130 : i32
    "tpu.region"() ({
      %run_scoped3A_315 = tpu.sem_alloc : memref<!tpu.dma_semaphore, #tpu.memory_space<semaphore_mem>>
      %dma_start3A_316 = arith.constant 0 : i32
      %dma_start3A_317 = tpu.memref_slice %arg5[%mul3A_131, %dma_start3A_316] : memref<2560x128xi32, #tpu.memory_space<hbm>> -> memref<160x128xi32, #tpu.memory_space<hbm>>
      %dma_start3A_318 = arith.constant 0 : i32
      %dma_start3A_319 = tpu.memref_slice %arg5[%mul3A_131, %dma_start3A_318] : memref<2560x128xi32, #tpu.memory_space<hbm>> -> memref<160x128xi32, #tpu.memory_space<hbm>>
      tpu.enqueue_dma source(%dma_start3A_319 : memref<160x128xi32, #tpu.memory_space<hbm>>) target(%arg9 : memref<160x128xi32, #tpu.memory_space<vmem>>) target_semaphore(%run_scoped3A_315 : memref<!tpu.dma_semaphore, #tpu.memory_space<semaphore_mem>>)
      %dma_wait3A_320 = arith.constant 0 : i32
      %dma_wait3A_321 = tpu.memref_slice %arg5[%mul3A_131, %dma_wait3A_320] : memref<2560x128xi32, #tpu.memory_space<hbm>> -> memref<160x128xi32, #tpu.memory_space<hbm>>
      %dma_wait3A_322 = arith.constant 0 : i32
      %dma_wait3A_323 = tpu.memref_slice %arg5[%mul3A_131, %dma_wait3A_322] : memref<2560x128xi32, #tpu.memory_space<hbm>> -> memref<160x128xi32, #tpu.memory_space<hbm>>
      tpu.wait_dma2 semaphore(%run_scoped3A_315 : memref<!tpu.dma_semaphore, #tpu.memory_space<semaphore_mem>>) src(%dma_wait3A_323 : memref<160x128xi32, #tpu.memory_space<hbm>>) dst(%arg9 : memref<160x128xi32, #tpu.memory_space<vmem>>)
      tpu.yield
    }) : () -> ()
    %barrier3A = arith.constant 0 : index
    tpu.barrier barrier_id(%barrier3A)
    %dma_start3A = arith.constant 0 : i32
    %dma_start3A_132 = arith.constant 0 : i32
    %dma_start3A_133 = arith.constant 0 : i32
    %dma_start3A_134 = arith.constant 0 : i32
    %dma_start3A_135 = tpu.memref_slice %arg10[%dma_start3A_132, %dma_start3A_133, %dma_start3A_134] : memref<8x128x64xbf16, #tpu.memory_space<vmem>> -> memref<1x128x64xbf16, #tpu.memory_space<vmem>>
    %dma_start3A_136 = tpu.memref_squeeze %dma_start3A_135 : memref<1x128x64xbf16, #tpu.memory_space<vmem>> -> memref<128x64xbf16, #tpu.memory_space<vmem>>
    %dma_start3A_137 = arith.constant 0 : i32
    %dma_start3A_138 = tpu.memref_slice %arg8[%dma_start3A, %dma_start3A_137] : memref<160x128xi32, #tpu.memory_space<vmem>> -> memref<1x128xi32, #tpu.memory_space<vmem>>
    %dma_start3A_139 = tpu.memref_squeeze %dma_start3A_138 : memref<1x128xi32, #tpu.memory_space<vmem>> -> memref<128xi32, #tpu.memory_space<vmem>>
    %dma_start3A_140 = arith.constant 0 : i32
    %dma_start3A_141 = arith.constant 0 : i32
    %dma_start3A_142 = tpu.memref_slice %arg2[%dma_start3A_140, %dma_start3A_141] : memref<20000x64xbf16, #tpu.memory_space<hbm>> -> memref<20000x64xbf16, #tpu.memory_space<hbm>>
    tpu.enqueue_indirect_dma source(%dma_start3A_142 : memref<20000x64xbf16, #tpu.memory_space<hbm>>) target(%dma_start3A_136 : memref<128x64xbf16, #tpu.memory_space<vmem>>) offsets(%dma_start3A_139 : memref<128xi32, #tpu.memory_space<vmem>>) semaphore(%arg15 : memref<!tpu.dma_semaphore, #tpu.memory_space<semaphore_mem>>)
    %dma_start3A_143 = arith.constant 1 : i32
    %dma_start3A_144 = arith.constant 1 : i32
    %dma_start3A_145 = arith.constant 0 : i32
    %dma_start3A_146 = arith.constant 0 : i32
    %dma_start3A_147 = tpu.memref_slice %arg10[%dma_start3A_144, %dma_start3A_145, %dma_start3A_146] : memref<8x128x64xbf16, #tpu.memory_space<vmem>> -> memref<1x128x64xbf16, #tpu.memory_space<vmem>>
    %dma_start3A_148 = tpu.memref_squeeze %dma_start3A_147 : memref<1x128x64xbf16, #tpu.memory_space<vmem>> -> memref<128x64xbf16, #tpu.memory_space<vmem>>
    %dma_start3A_149 = arith.constant 0 : i32
    %dma_start3A_150 = tpu.memref_slice %arg8[%dma_start3A_143, %dma_start3A_149] : memref<160x128xi32, #tpu.memory_space<vmem>> -> memref<1x128xi32, #tpu.memory_space<vmem>>
    %dma_start3A_151 = tpu.memref_squeeze %dma_start3A_150 : memref<1x128xi32, #tpu.memory_space<vmem>> -> memref<128xi32, #tpu.memory_space<vmem>>
    %dma_start3A_152 = arith.constant 0 : i32
    %dma_start3A_153 = arith.constant 0 : i32
    %dma_start3A_154 = tpu.memref_slice %arg2[%dma_start3A_152, %dma_start3A_153] : memref<20000x64xbf16, #tpu.memory_space<hbm>> -> memref<20000x64xbf16, #tpu.memory_space<hbm>>
    tpu.enqueue_indirect_dma source(%dma_start3A_154 : memref<20000x64xbf16, #tpu.memory_space<hbm>>) target(%dma_start3A_148 : memref<128x64xbf16, #tpu.memory_space<vmem>>) offsets(%dma_start3A_151 : memref<128xi32, #tpu.memory_space<vmem>>) semaphore(%arg16 : memref<!tpu.dma_semaphore, #tpu.memory_space<semaphore_mem>>)
    %dma_start3A_155 = arith.constant 2 : i32
    %dma_start3A_156 = arith.constant 2 : i32
    %dma_start3A_157 = arith.constant 0 : i32
    %dma_start3A_158 = arith.constant 0 : i32
    %dma_start3A_159 = tpu.memref_slice %arg10[%dma_start3A_156, %dma_start3A_157, %dma_start3A_158] : memref<8x128x64xbf16, #tpu.memory_space<vmem>> -> memref<1x128x64xbf16, #tpu.memory_space<vmem>>
    %dma_start3A_160 = tpu.memref_squeeze %dma_start3A_159 : memref<1x128x64xbf16, #tpu.memory_space<vmem>> -> memref<128x64xbf16, #tpu.memory_space<vmem>>
    %dma_start3A_161 = arith.constant 0 : i32
    %dma_start3A_162 = tpu.memref_slice %arg8[%dma_start3A_155, %dma_start3A_161] : memref<160x128xi32, #tpu.memory_space<vmem>> -> memref<1x128xi32, #tpu.memory_space<vmem>>
    %dma_start3A_163 = tpu.memref_squeeze %dma_start3A_162 : memref<1x128xi32, #tpu.memory_space<vmem>> -> memref<128xi32, #tpu.memory_space<vmem>>
    %dma_start3A_164 = arith.constant 0 : i32
    %dma_start3A_165 = arith.constant 0 : i32
    %dma_start3A_166 = tpu.memref_slice %arg2[%dma_start3A_164, %dma_start3A_165] : memref<20000x64xbf16, #tpu.memory_space<hbm>> -> memref<20000x64xbf16, #tpu.memory_space<hbm>>
    tpu.enqueue_indirect_dma source(%dma_start3A_166 : memref<20000x64xbf16, #tpu.memory_space<hbm>>) target(%dma_start3A_160 : memref<128x64xbf16, #tpu.memory_space<vmem>>) offsets(%dma_start3A_163 : memref<128xi32, #tpu.memory_space<vmem>>) semaphore(%arg17 : memref<!tpu.dma_semaphore, #tpu.memory_space<semaphore_mem>>)
    %dma_start3A_167 = arith.constant 3 : i32
    %dma_start3A_168 = arith.constant 3 : i32
    %dma_start3A_169 = arith.constant 0 : i32
    %dma_start3A_170 = arith.constant 0 : i32
    %dma_start3A_171 = tpu.memref_slice %arg10[%dma_start3A_168, %dma_start3A_169, %dma_start3A_170] : memref<8x128x64xbf16, #tpu.memory_space<vmem>> -> memref<1x128x64xbf16, #tpu.memory_space<vmem>>
    %dma_start3A_172 = tpu.memref_squeeze %dma_start3A_171 : memref<1x128x64xbf16, #tpu.memory_space<vmem>> -> memref<128x64xbf16, #tpu.memory_space<vmem>>
    %dma_start3A_173 = arith.constant 0 : i32
    %dma_start3A_174 = tpu.memref_slice %arg8[%dma_start3A_167, %dma_start3A_173] : memref<160x128xi32, #tpu.memory_space<vmem>> -> memref<1x128xi32, #tpu.memory_space<vmem>>
    %dma_start3A_175 = tpu.memref_squeeze %dma_start3A_174 : memref<1x128xi32, #tpu.memory_space<vmem>> -> memref<128xi32, #tpu.memory_space<vmem>>
    %dma_start3A_176 = arith.constant 0 : i32
    %dma_start3A_177 = arith.constant 0 : i32
    %dma_start3A_178 = tpu.memref_slice %arg2[%dma_start3A_176, %dma_start3A_177] : memref<20000x64xbf16, #tpu.memory_space<hbm>> -> memref<20000x64xbf16, #tpu.memory_space<hbm>>
    tpu.enqueue_indirect_dma source(%dma_start3A_178 : memref<20000x64xbf16, #tpu.memory_space<hbm>>) target(%dma_start3A_172 : memref<128x64xbf16, #tpu.memory_space<vmem>>) offsets(%dma_start3A_175 : memref<128xi32, #tpu.memory_space<vmem>>) semaphore(%arg18 : memref<!tpu.dma_semaphore, #tpu.memory_space<semaphore_mem>>)
    %scan3A_179 = arith.constant 0 : i32
    %scan3A_180 = arith.constant 0 : i32
    %scan3A_181 = arith.constant 20 : i32
    %scan3A_182 = arith.addi %scan3A_180, %scan3A_181 : i32
    %scan3A_183 = arith.constant 1 : i32
    scf.for %scan3A_315 = %scan3A_180 to %scan3A_182 step %scan3A_183  : i32 {
      %mul3A_316 = arith.constant 8 : i32
      %mul3A_317 = arith.muli %scan3A_315, %mul3A_316 : i32
      %add3A_318 = arith.constant 0 : i32
      %add3A_319 = arith.addi %mul3A_317, %add3A_318 : i32
      %dma_wait3A_320 = arith.constant 0 : i32
      %dma_wait3A_321 = arith.constant 0 : i32
      %dma_wait3A_322 = arith.constant 0 : i32
      %dma_wait3A_323 = tpu.memref_slice %arg10[%dma_wait3A_320, %dma_wait3A_321, %dma_wait3A_322] : memref<8x128x64xbf16, #tpu.memory_space<vmem>> -> memref<1x128x64xbf16, #tpu.memory_space<vmem>>
      %dma_wait3A_324 = tpu.memref_squeeze %dma_wait3A_323 : memref<1x128x64xbf16, #tpu.memory_space<vmem>> -> memref<128x64xbf16, #tpu.memory_space<vmem>>
      %dma_wait3A_325 = arith.constant 0 : i32
      %dma_wait3A_326 = tpu.memref_slice %arg8[%add3A_319, %dma_wait3A_325] : memref<160x128xi32, #tpu.memory_space<vmem>> -> memref<1x128xi32, #tpu.memory_space<vmem>>
      %dma_wait3A_327 = tpu.memref_squeeze %dma_wait3A_326 : memref<1x128xi32, #tpu.memory_space<vmem>> -> memref<128xi32, #tpu.memory_space<vmem>>
      %dma_wait3A_328 = arith.constant 0 : i32
      %dma_wait3A_329 = arith.constant 0 : i32
      %dma_wait3A_330 = tpu.memref_slice %arg2[%dma_wait3A_328, %dma_wait3A_329] : memref<20000x64xbf16, #tpu.memory_space<hbm>> -> memref<20000x64xbf16, #tpu.memory_space<hbm>>
      tpu.wait_indirect_dma semaphore(%arg15 : memref<!tpu.dma_semaphore, #tpu.memory_space<semaphore_mem>>) src(%dma_wait3A_330 : memref<20000x64xbf16, #tpu.memory_space<hbm>>) dst(%dma_wait3A_324 : memref<128x64xbf16, #tpu.memory_space<vmem>>)
      %dma_start3A_331 = arith.constant 0 : i32
      %dma_start3A_332 = arith.constant 0 : i32
      %dma_start3A_333 = arith.constant 0 : i32
      %dma_start3A_334 = tpu.memref_slice %arg10[%dma_start3A_331, %dma_start3A_332, %dma_start3A_333] : memref<8x128x64xbf16, #tpu.memory_space<vmem>> -> memref<1x128x64xbf16, #tpu.memory_space<vmem>>
      %dma_start3A_335 = tpu.memref_squeeze %dma_start3A_334 : memref<1x128x64xbf16, #tpu.memory_space<vmem>> -> memref<128x64xbf16, #tpu.memory_space<vmem>>
      %dma_start3A_336 = arith.constant 0 : i32
      %dma_start3A_337 = tpu.memref_slice %arg9[%add3A_319, %dma_start3A_336] : memref<160x128xi32, #tpu.memory_space<vmem>> -> memref<1x128xi32, #tpu.memory_space<vmem>>
      %dma_start3A_338 = tpu.memref_squeeze %dma_start3A_337 : memref<1x128xi32, #tpu.memory_space<vmem>> -> memref<128xi32, #tpu.memory_space<vmem>>
      %dma_start3A_339 = arith.constant 0 : i32
      %dma_start3A_340 = arith.constant 0 : i32
      %dma_start3A_341 = tpu.memref_slice %arg13[%dma_start3A_339, %dma_start3A_340] : memref<10240x64xbf16, #tpu.memory_space<vmem_shared>> -> memref<10240x64xbf16, #tpu.memory_space<vmem_shared>>
      tpu.enqueue_indirect_dma source(%dma_start3A_335 : memref<128x64xbf16, #tpu.memory_space<vmem>>) target(%dma_start3A_341 : memref<10240x64xbf16, #tpu.memory_space<vmem_shared>>) offsets(%dma_start3A_338 : memref<128xi32, #tpu.memory_space<vmem>>) semaphore(%arg23 : memref<!tpu.dma_semaphore, #tpu.memory_space<semaphore_mem>>) {add = true}
      %convert_element_type3A_342 = arith.extui %eq3A_0 : i1 to i32
      %cond3A_343 = arith.constant 0 : i32
      %cond3A_344 = arith.cmpi ne, %convert_element_type3A_342, %cond3A_343 : i32
      scf.if %cond3A_344 {
        %dma_start3A_651 = arith.constant 0 : i32
        %dma_start3A_652 = tpu.memref_slice %arg9[%add3A_319, %dma_start3A_651] : memref<160x128xi32, #tpu.memory_space<vmem>> -> memref<1x128xi32, #tpu.memory_space<vmem>>
        %dma_start3A_653 = tpu.memref_squeeze %dma_start3A_652 : memref<1x128xi32, #tpu.memory_space<vmem>> -> memref<128xi32, #tpu.memory_space<vmem>>
        %dma_start3A_654 = arith.constant 0 : i32
        %dma_start3A_655 = tpu.memref_slice %arg14[%dma_start3A_654] : memref<10240xf32, #tpu.memory_space<vmem_shared>> -> memref<10240xf32, #tpu.memory_space<vmem_shared>>
        tpu.enqueue_indirect_dma source(%arg11 : memref<128xf32, #tpu.memory_space<vmem>>) target(%dma_start3A_655 : memref<10240xf32, #tpu.memory_space<vmem_shared>>) offsets(%dma_start3A_653 : memref<128xi32, #tpu.memory_space<vmem>>) semaphore(%arg31 : memref<!tpu.dma_semaphore, #tpu.memory_space<semaphore_mem>>) {add = true}
      } else {
      }
      %add3A_345 = arith.constant 4 : i32
      %add3A_346 = arith.addi %add3A_319, %add3A_345 : i32
      %ge3A = arith.constant 4 : i32
      %ge3A_347 = arith.cmpi sge, %add3A_319, %ge3A : i32
      %lt3A = arith.constant 160 : i32
      %lt3A_348 = arith.cmpi slt, %add3A_346, %lt3A : i32
      %and3A = arith.andi %ge3A_347, %lt3A_348 : i1
      %convert_element_type3A_349 = arith.extui %and3A : i1 to i32
      %cond3A_350 = arith.constant 0 : i32
      %cond3A_351 = arith.cmpi ne, %convert_element_type3A_349, %cond3A_350 : i32
      scf.if %cond3A_351 {
        %dma_wait3A_651 = arith.constant 4 : i32
        %dma_wait3A_652 = arith.constant 0 : i32
        %dma_wait3A_653 = arith.constant 0 : i32
        %dma_wait3A_654 = arith.constant 0 : i32
        %dma_wait3A_655 = tpu.memref_slice %arg10[%dma_wait3A_651, %dma_wait3A_653, %dma_wait3A_654] : memref<8x128x64xbf16, #tpu.memory_space<vmem>> -> memref<1x128x64xbf16, #tpu.memory_space<vmem>>
        %dma_wait3A_656 = tpu.memref_squeeze %dma_wait3A_655 : memref<1x128x64xbf16, #tpu.memory_space<vmem>> -> memref<128x64xbf16, #tpu.memory_space<vmem>>
        %dma_wait3A_657 = arith.constant 0 : i32
        %dma_wait3A_658 = tpu.memref_slice %arg9[%dma_wait3A_652, %dma_wait3A_657] : memref<160x128xi32, #tpu.memory_space<vmem>> -> memref<1x128xi32, #tpu.memory_space<vmem>>
        %dma_wait3A_659 = tpu.memref_squeeze %dma_wait3A_658 : memref<1x128xi32, #tpu.memory_space<vmem>> -> memref<128xi32, #tpu.memory_space<vmem>>
        %dma_wait3A_660 = arith.constant 0 : i32
        %dma_wait3A_661 = arith.constant 0 : i32
        %dma_wait3A_662 = tpu.memref_slice %arg13[%dma_wait3A_660, %dma_wait3A_661] : memref<10240x64xbf16, #tpu.memory_space<vmem_shared>> -> memref<10240x64xbf16, #tpu.memory_space<vmem_shared>>
        tpu.wait_indirect_dma semaphore(%arg27 : memref<!tpu.dma_semaphore, #tpu.memory_space<semaphore_mem>>) src(%dma_wait3A_656 : memref<128x64xbf16, #tpu.memory_space<vmem>>) dst(%dma_wait3A_662 : memref<10240x64xbf16, #tpu.memory_space<vmem_shared>>)
        %convert_element_type3A_663 = arith.extui %eq3A_0 : i1 to i32
        %cond3A_664 = arith.constant 0 : i32
        %cond3A_665 = arith.cmpi ne, %convert_element_type3A_663, %cond3A_664 : i32
        scf.if %cond3A_665 {
          %dma_wait3A_666 = arith.constant 0 : i32
          %dma_wait3A_667 = arith.constant 0 : i32
          %dma_wait3A_668 = tpu.memref_slice %arg9[%dma_wait3A_666, %dma_wait3A_667] : memref<160x128xi32, #tpu.memory_space<vmem>> -> memref<1x128xi32, #tpu.memory_space<vmem>>
          %dma_wait3A_669 = tpu.memref_squeeze %dma_wait3A_668 : memref<1x128xi32, #tpu.memory_space<vmem>> -> memref<128xi32, #tpu.memory_space<vmem>>
          %dma_wait3A_670 = arith.constant 0 : i32
          %dma_wait3A_671 = tpu.memref_slice %arg14[%dma_wait3A_670] : memref<10240xf32, #tpu.memory_space<vmem_shared>> -> memref<10240xf32, #tpu.memory_space<vmem_shared>>
          tpu.wait_indirect_dma semaphore(%arg35 : memref<!tpu.dma_semaphore, #tpu.memory_space<semaphore_mem>>) src(%arg11 : memref<128xf32, #tpu.memory_space<vmem>>) dst(%dma_wait3A_671 : memref<10240xf32, #tpu.memory_space<vmem_shared>>)
        } else {
        }
      } else {
      }
      %lt3A_352 = arith.constant 160 : i32
      %lt3A_353 = arith.cmpi slt, %add3A_346, %lt3A_352 : i32
      %convert_element_type3A_354 = arith.extui %lt3A_353 : i1 to i32
      %cond3A_355 = arith.constant 0 : i32
      %cond3A_356 = arith.cmpi ne, %convert_element_type3A_354, %cond3A_355 : i32
      scf.if %cond3A_356 {
        %dma_start3A_651 = arith.constant 4 : i32
        %dma_start3A_652 = arith.constant 0 : i32
        %dma_start3A_653 = arith.constant 0 : i32
        %dma_start3A_654 = tpu.memref_slice %arg10[%dma_start3A_651, %dma_start3A_652, %dma_start3A_653] : memref<8x128x64xbf16, #tpu.memory_space<vmem>> -> memref<1x128x64xbf16, #tpu.memory_space<vmem>>
        %dma_start3A_655 = tpu.memref_squeeze %dma_start3A_654 : memref<1x128x64xbf16, #tpu.memory_space<vmem>> -> memref<128x64xbf16, #tpu.memory_space<vmem>>
        %dma_start3A_656 = arith.constant 0 : i32
        %dma_start3A_657 = tpu.memref_slice %arg8[%add3A_346, %dma_start3A_656] : memref<160x128xi32, #tpu.memory_space<vmem>> -> memref<1x128xi32, #tpu.memory_space<vmem>>
        %dma_start3A_658 = tpu.memref_squeeze %dma_start3A_657 : memref<1x128xi32, #tpu.memory_space<vmem>> -> memref<128xi32, #tpu.memory_space<vmem>>
        %dma_start3A_659 = arith.constant 0 : i32
        %dma_start3A_660 = arith.constant 0 : i32
        %dma_start3A_661 = tpu.memref_slice %arg2[%dma_start3A_659, %dma_start3A_660] : memref<20000x64xbf16, #tpu.memory_space<hbm>> -> memref<20000x64xbf16, #tpu.memory_space<hbm>>
        tpu.enqueue_indirect_dma source(%dma_start3A_661 : memref<20000x64xbf16, #tpu.memory_space<hbm>>) target(%dma_start3A_655 : memref<128x64xbf16, #tpu.memory_space<vmem>>) offsets(%dma_start3A_658 : memref<128xi32, #tpu.memory_space<vmem>>) semaphore(%arg19 : memref<!tpu.dma_semaphore, #tpu.memory_space<semaphore_mem>>)
      } else {
      }
      %add3A_357 = arith.constant 1 : i32
      %add3A_358 = arith.addi %mul3A_317, %add3A_357 : i32
      %dma_wait3A_359 = arith.constant 1 : i32
      %dma_wait3A_360 = arith.constant 0 : i32
      %dma_wait3A_361 = arith.constant 0 : i32
      %dma_wait3A_362 = tpu.memref_slice %arg10[%dma_wait3A_359, %dma_wait3A_360, %dma_wait3A_361] : memref<8x128x64xbf16, #tpu.memory_space<vmem>> -> memref<1x128x64xbf16, #tpu.memory_space<vmem>>
      %dma_wait3A_363 = tpu.memref_squeeze %dma_wait3A_362 : memref<1x128x64xbf16, #tpu.memory_space<vmem>> -> memref<128x64xbf16, #tpu.memory_space<vmem>>
      %dma_wait3A_364 = arith.constant 0 : i32
      %dma_wait3A_365 = tpu.memref_slice %arg8[%add3A_358, %dma_wait3A_364] : memref<160x128xi32, #tpu.memory_space<vmem>> -> memref<1x128xi32, #tpu.memory_space<vmem>>
      %dma_wait3A_366 = tpu.memref_squeeze %dma_wait3A_365 : memref<1x128xi32, #tpu.memory_space<vmem>> -> memref<128xi32, #tpu.memory_space<vmem>>
      %dma_wait3A_367 = arith.constant 0 : i32
      %dma_wait3A_368 = arith.constant 0 : i32
      %dma_wait3A_369 = tpu.memref_slice %arg2[%dma_wait3A_367, %dma_wait3A_368] : memref<20000x64xbf16, #tpu.memory_space<hbm>> -> memref<20000x64xbf16, #tpu.memory_space<hbm>>
      tpu.wait_indirect_dma semaphore(%arg16 : memref<!tpu.dma_semaphore, #tpu.memory_space<semaphore_mem>>) src(%dma_wait3A_369 : memref<20000x64xbf16, #tpu.memory_space<hbm>>) dst(%dma_wait3A_363 : memref<128x64xbf16, #tpu.memory_space<vmem>>)
      %dma_start3A_370 = arith.constant 1 : i32
      %dma_start3A_371 = arith.constant 0 : i32
      %dma_start3A_372 = arith.constant 0 : i32
      %dma_start3A_373 = tpu.memref_slice %arg10[%dma_start3A_370, %dma_start3A_371, %dma_start3A_372] : memref<8x128x64xbf16, #tpu.memory_space<vmem>> -> memref<1x128x64xbf16, #tpu.memory_space<vmem>>
      %dma_start3A_374 = tpu.memref_squeeze %dma_start3A_373 : memref<1x128x64xbf16, #tpu.memory_space<vmem>> -> memref<128x64xbf16, #tpu.memory_space<vmem>>
      %dma_start3A_375 = arith.constant 0 : i32
      %dma_start3A_376 = tpu.memref_slice %arg9[%add3A_358, %dma_start3A_375] : memref<160x128xi32, #tpu.memory_space<vmem>> -> memref<1x128xi32, #tpu.memory_space<vmem>>
      %dma_start3A_377 = tpu.memref_squeeze %dma_start3A_376 : memref<1x128xi32, #tpu.memory_space<vmem>> -> memref<128xi32, #tpu.memory_space<vmem>>
      %dma_start3A_378 = arith.constant 0 : i32
      %dma_start3A_379 = arith.constant 0 : i32
      %dma_start3A_380 = tpu.memref_slice %arg13[%dma_start3A_378, %dma_start3A_379] : memref<10240x64xbf16, #tpu.memory_space<vmem_shared>> -> memref<10240x64xbf16, #tpu.memory_space<vmem_shared>>
      tpu.enqueue_indirect_dma source(%dma_start3A_374 : memref<128x64xbf16, #tpu.memory_space<vmem>>) target(%dma_start3A_380 : memref<10240x64xbf16, #tpu.memory_space<vmem_shared>>) offsets(%dma_start3A_377 : memref<128xi32, #tpu.memory_space<vmem>>) semaphore(%arg24 : memref<!tpu.dma_semaphore, #tpu.memory_space<semaphore_mem>>) {add = true}
      %convert_element_type3A_381 = arith.extui %eq3A_0 : i1 to i32
      %cond3A_382 = arith.constant 0 : i32
      %cond3A_383 = arith.cmpi ne, %convert_element_type3A_381, %cond3A_382 : i32
      scf.if %cond3A_383 {
        %dma_start3A_651 = arith.constant 0 : i32
        %dma_start3A_652 = tpu.memref_slice %arg9[%add3A_358, %dma_start3A_651] : memref<160x128xi32, #tpu.memory_space<vmem>> -> memref<1x128xi32, #tpu.memory_space<vmem>>
        %dma_start3A_653 = tpu.memref_squeeze %dma_start3A_652 : memref<1x128xi32, #tpu.memory_space<vmem>> -> memref<128xi32, #tpu.memory_space<vmem>>
        %dma_start3A_654 = arith.constant 0 : i32
        %dma_start3A_655 = tpu.memref_slice %arg14[%dma_start3A_654] : memref<10240xf32, #tpu.memory_space<vmem_shared>> -> memref<10240xf32, #tpu.memory_space<vmem_shared>>
        tpu.enqueue_indirect_dma source(%arg11 : memref<128xf32, #tpu.memory_space<vmem>>) target(%dma_start3A_655 : memref<10240xf32, #tpu.memory_space<vmem_shared>>) offsets(%dma_start3A_653 : memref<128xi32, #tpu.memory_space<vmem>>) semaphore(%arg32 : memref<!tpu.dma_semaphore, #tpu.memory_space<semaphore_mem>>) {add = true}
      } else {
      }
      %add3A_384 = arith.constant 4 : i32
      %add3A_385 = arith.addi %add3A_358, %add3A_384 : i32
      %ge3A_386 = arith.constant 4 : i32
      %ge3A_387 = arith.cmpi sge, %add3A_358, %ge3A_386 : i32
      %lt3A_388 = arith.constant 160 : i32
      %lt3A_389 = arith.cmpi slt, %add3A_385, %lt3A_388 : i32
      %and3A_390 = arith.andi %ge3A_387, %lt3A_389 : i1
      %convert_element_type3A_391 = arith.extui %and3A_390 : i1 to i32
      %cond3A_392 = arith.constant 0 : i32
      %cond3A_393 = arith.cmpi ne, %convert_element_type3A_391, %cond3A_392 : i32
      scf.if %cond3A_393 {
        %dma_wait3A_651 = arith.constant 5 : i32
        %dma_wait3A_652 = arith.constant 0 : i32
        %dma_wait3A_653 = arith.constant 0 : i32
        %dma_wait3A_654 = arith.constant 0 : i32
        %dma_wait3A_655 = tpu.memref_slice %arg10[%dma_wait3A_651, %dma_wait3A_653, %dma_wait3A_654] : memref<8x128x64xbf16, #tpu.memory_space<vmem>> -> memref<1x128x64xbf16, #tpu.memory_space<vmem>>
        %dma_wait3A_656 = tpu.memref_squeeze %dma_wait3A_655 : memref<1x128x64xbf16, #tpu.memory_space<vmem>> -> memref<128x64xbf16, #tpu.memory_space<vmem>>
        %dma_wait3A_657 = arith.constant 0 : i32
        %dma_wait3A_658 = tpu.memref_slice %arg9[%dma_wait3A_652, %dma_wait3A_657] : memref<160x128xi32, #tpu.memory_space<vmem>> -> memref<1x128xi32, #tpu.memory_space<vmem>>
        %dma_wait3A_659 = tpu.memref_squeeze %dma_wait3A_658 : memref<1x128xi32, #tpu.memory_space<vmem>> -> memref<128xi32, #tpu.memory_space<vmem>>
        %dma_wait3A_660 = arith.constant 0 : i32
        %dma_wait3A_661 = arith.constant 0 : i32
        %dma_wait3A_662 = tpu.memref_slice %arg13[%dma_wait3A_660, %dma_wait3A_661] : memref<10240x64xbf16, #tpu.memory_space<vmem_shared>> -> memref<10240x64xbf16, #tpu.memory_space<vmem_shared>>
        tpu.wait_indirect_dma semaphore(%arg28 : memref<!tpu.dma_semaphore, #tpu.memory_space<semaphore_mem>>) src(%dma_wait3A_656 : memref<128x64xbf16, #tpu.memory_space<vmem>>) dst(%dma_wait3A_662 : memref<10240x64xbf16, #tpu.memory_space<vmem_shared>>)
        %convert_element_type3A_663 = arith.extui %eq3A_0 : i1 to i32
        %cond3A_664 = arith.constant 0 : i32
        %cond3A_665 = arith.cmpi ne, %convert_element_type3A_663, %cond3A_664 : i32
        scf.if %cond3A_665 {
          %dma_wait3A_666 = arith.constant 0 : i32
          %dma_wait3A_667 = arith.constant 0 : i32
          %dma_wait3A_668 = tpu.memref_slice %arg9[%dma_wait3A_666, %dma_wait3A_667] : memref<160x128xi32, #tpu.memory_space<vmem>> -> memref<1x128xi32, #tpu.memory_space<vmem>>
          %dma_wait3A_669 = tpu.memref_squeeze %dma_wait3A_668 : memref<1x128xi32, #tpu.memory_space<vmem>> -> memref<128xi32, #tpu.memory_space<vmem>>
          %dma_wait3A_670 = arith.constant 0 : i32
          %dma_wait3A_671 = tpu.memref_slice %arg14[%dma_wait3A_670] : memref<10240xf32, #tpu.memory_space<vmem_shared>> -> memref<10240xf32, #tpu.memory_space<vmem_shared>>
          tpu.wait_indirect_dma semaphore(%arg36 : memref<!tpu.dma_semaphore, #tpu.memory_space<semaphore_mem>>) src(%arg11 : memref<128xf32, #tpu.memory_space<vmem>>) dst(%dma_wait3A_671 : memref<10240xf32, #tpu.memory_space<vmem_shared>>)
        } else {
        }
      } else {
      }
      %lt3A_394 = arith.constant 160 : i32
      %lt3A_395 = arith.cmpi slt, %add3A_385, %lt3A_394 : i32
      %convert_element_type3A_396 = arith.extui %lt3A_395 : i1 to i32
      %cond3A_397 = arith.constant 0 : i32
      %cond3A_398 = arith.cmpi ne, %convert_element_type3A_396, %cond3A_397 : i32
      scf.if %cond3A_398 {
        %dma_start3A_651 = arith.constant 5 : i32
        %dma_start3A_652 = arith.constant 0 : i32
        %dma_start3A_653 = arith.constant 0 : i32
        %dma_start3A_654 = tpu.memref_slice %arg10[%dma_start3A_651, %dma_start3A_652, %dma_start3A_653] : memref<8x128x64xbf16, #tpu.memory_space<vmem>> -> memref<1x128x64xbf16, #tpu.memory_space<vmem>>
        %dma_start3A_655 = tpu.memref_squeeze %dma_start3A_654 : memref<1x128x64xbf16, #tpu.memory_space<vmem>> -> memref<128x64xbf16, #tpu.memory_space<vmem>>
        %dma_start3A_656 = arith.constant 0 : i32
        %dma_start3A_657 = tpu.memref_slice %arg8[%add3A_385, %dma_start3A_656] : memref<160x128xi32, #tpu.memory_space<vmem>> -> memref<1x128xi32, #tpu.memory_space<vmem>>
        %dma_start3A_658 = tpu.memref_squeeze %dma_start3A_657 : memref<1x128xi32, #tpu.memory_space<vmem>> -> memref<128xi32, #tpu.memory_space<vmem>>
        %dma_start3A_659 = arith.constant 0 : i32
        %dma_start3A_660 = arith.constant 0 : i32
        %dma_start3A_661 = tpu.memref_slice %arg2[%dma_start3A_659, %dma_start3A_660] : memref<20000x64xbf16, #tpu.memory_space<hbm>> -> memref<20000x64xbf16, #tpu.memory_space<hbm>>
        tpu.enqueue_indirect_dma source(%dma_start3A_661 : memref<20000x64xbf16, #tpu.memory_space<hbm>>) target(%dma_start3A_655 : memref<128x64xbf16, #tpu.memory_space<vmem>>) offsets(%dma_start3A_658 : memref<128xi32, #tpu.memory_space<vmem>>) semaphore(%arg20 : memref<!tpu.dma_semaphore, #tpu.memory_space<semaphore_mem>>)
      } else {
      }
      %add3A_399 = arith.constant 2 : i32
      %add3A_400 = arith.addi %mul3A_317, %add3A_399 : i32
      %dma_wait3A_401 = arith.constant 2 : i32
      %dma_wait3A_402 = arith.constant 0 : i32
      %dma_wait3A_403 = arith.constant 0 : i32
      %dma_wait3A_404 = tpu.memref_slice %arg10[%dma_wait3A_401, %dma_wait3A_402, %dma_wait3A_403] : memref<8x128x64xbf16, #tpu.memory_space<vmem>> -> memref<1x128x64xbf16, #tpu.memory_space<vmem>>
      %dma_wait3A_405 = tpu.memref_squeeze %dma_wait3A_404 : memref<1x128x64xbf16, #tpu.memory_space<vmem>> -> memref<128x64xbf16, #tpu.memory_space<vmem>>
      %dma_wait3A_406 = arith.constant 0 : i32
      %dma_wait3A_407 = tpu.memref_slice %arg8[%add3A_400, %dma_wait3A_406] : memref<160x128xi32, #tpu.memory_space<vmem>> -> memref<1x128xi32, #tpu.memory_space<vmem>>
      %dma_wait3A_408 = tpu.memref_squeeze %dma_wait3A_407 : memref<1x128xi32, #tpu.memory_space<vmem>> -> memref<128xi32, #tpu.memory_space<vmem>>
      %dma_wait3A_409 = arith.constant 0 : i32
      %dma_wait3A_410 = arith.constant 0 : i32
      %dma_wait3A_411 = tpu.memref_slice %arg2[%dma_wait3A_409, %dma_wait3A_410] : memref<20000x64xbf16, #tpu.memory_space<hbm>> -> memref<20000x64xbf16, #tpu.memory_space<hbm>>
      tpu.wait_indirect_dma semaphore(%arg17 : memref<!tpu.dma_semaphore, #tpu.memory_space<semaphore_mem>>) src(%dma_wait3A_411 : memref<20000x64xbf16, #tpu.memory_space<hbm>>) dst(%dma_wait3A_405 : memref<128x64xbf16, #tpu.memory_space<vmem>>)
      %dma_start3A_412 = arith.constant 2 : i32
      %dma_start3A_413 = arith.constant 0 : i32
      %dma_start3A_414 = arith.constant 0 : i32
      %dma_start3A_415 = tpu.memref_slice %arg10[%dma_start3A_412, %dma_start3A_413, %dma_start3A_414] : memref<8x128x64xbf16, #tpu.memory_space<vmem>> -> memref<1x128x64xbf16, #tpu.memory_space<vmem>>
      %dma_start3A_416 = tpu.memref_squeeze %dma_start3A_415 : memref<1x128x64xbf16, #tpu.memory_space<vmem>> -> memref<128x64xbf16, #tpu.memory_space<vmem>>
      %dma_start3A_417 = arith.constant 0 : i32
      %dma_start3A_418 = tpu.memref_slice %arg9[%add3A_400, %dma_start3A_417] : memref<160x128xi32, #tpu.memory_space<vmem>> -> memref<1x128xi32, #tpu.memory_space<vmem>>
      %dma_start3A_419 = tpu.memref_squeeze %dma_start3A_418 : memref<1x128xi32, #tpu.memory_space<vmem>> -> memref<128xi32, #tpu.memory_space<vmem>>
      %dma_start3A_420 = arith.constant 0 : i32
      %dma_start3A_421 = arith.constant 0 : i32
      %dma_start3A_422 = tpu.memref_slice %arg13[%dma_start3A_420, %dma_start3A_421] : memref<10240x64xbf16, #tpu.memory_space<vmem_shared>> -> memref<10240x64xbf16, #tpu.memory_space<vmem_shared>>
      tpu.enqueue_indirect_dma source(%dma_start3A_416 : memref<128x64xbf16, #tpu.memory_space<vmem>>) target(%dma_start3A_422 : memref<10240x64xbf16, #tpu.memory_space<vmem_shared>>) offsets(%dma_start3A_419 : memref<128xi32, #tpu.memory_space<vmem>>) semaphore(%arg25 : memref<!tpu.dma_semaphore, #tpu.memory_space<semaphore_mem>>) {add = true}
      %convert_element_type3A_423 = arith.extui %eq3A_0 : i1 to i32
      %cond3A_424 = arith.constant 0 : i32
      %cond3A_425 = arith.cmpi ne, %convert_element_type3A_423, %cond3A_424 : i32
      scf.if %cond3A_425 {
        %dma_start3A_651 = arith.constant 0 : i32
        %dma_start3A_652 = tpu.memref_slice %arg9[%add3A_400, %dma_start3A_651] : memref<160x128xi32, #tpu.memory_space<vmem>> -> memref<1x128xi32, #tpu.memory_space<vmem>>
        %dma_start3A_653 = tpu.memref_squeeze %dma_start3A_652 : memref<1x128xi32, #tpu.memory_space<vmem>> -> memref<128xi32, #tpu.memory_space<vmem>>
        %dma_start3A_654 = arith.constant 0 : i32
        %dma_start3A_655 = tpu.memref_slice %arg14[%dma_start3A_654] : memref<10240xf32, #tpu.memory_space<vmem_shared>> -> memref<10240xf32, #tpu.memory_space<vmem_shared>>
        tpu.enqueue_indirect_dma source(%arg11 : memref<128xf32, #tpu.memory_space<vmem>>) target(%dma_start3A_655 : memref<10240xf32, #tpu.memory_space<vmem_shared>>) offsets(%dma_start3A_653 : memref<128xi32, #tpu.memory_space<vmem>>) semaphore(%arg33 : memref<!tpu.dma_semaphore, #tpu.memory_space<semaphore_mem>>) {add = true}
      } else {
      }
      %add3A_426 = arith.constant 4 : i32
      %add3A_427 = arith.addi %add3A_400, %add3A_426 : i32
      %ge3A_428 = arith.constant 4 : i32
      %ge3A_429 = arith.cmpi sge, %add3A_400, %ge3A_428 : i32
      %lt3A_430 = arith.constant 160 : i32
      %lt3A_431 = arith.cmpi slt, %add3A_427, %lt3A_430 : i32
      %and3A_432 = arith.andi %ge3A_429, %lt3A_431 : i1
      %convert_element_type3A_433 = arith.extui %and3A_432 : i1 to i32
      %cond3A_434 = arith.constant 0 : i32
      %cond3A_435 = arith.cmpi ne, %convert_element_type3A_433, %cond3A_434 : i32
      scf.if %cond3A_435 {
        %dma_wait3A_651 = arith.constant 6 : i32
        %dma_wait3A_652 = arith.constant 0 : i32
        %dma_wait3A_653 = arith.constant 0 : i32
        %dma_wait3A_654 = arith.constant 0 : i32
        %dma_wait3A_655 = tpu.memref_slice %arg10[%dma_wait3A_651, %dma_wait3A_653, %dma_wait3A_654] : memref<8x128x64xbf16, #tpu.memory_space<vmem>> -> memref<1x128x64xbf16, #tpu.memory_space<vmem>>
        %dma_wait3A_656 = tpu.memref_squeeze %dma_wait3A_655 : memref<1x128x64xbf16, #tpu.memory_space<vmem>> -> memref<128x64xbf16, #tpu.memory_space<vmem>>
        %dma_wait3A_657 = arith.constant 0 : i32
        %dma_wait3A_658 = tpu.memref_slice %arg9[%dma_wait3A_652, %dma_wait3A_657] : memref<160x128xi32, #tpu.memory_space<vmem>> -> memref<1x128xi32, #tpu.memory_space<vmem>>
        %dma_wait3A_659 = tpu.memref_squeeze %dma_wait3A_658 : memref<1x128xi32, #tpu.memory_space<vmem>> -> memref<128xi32, #tpu.memory_space<vmem>>
        %dma_wait3A_660 = arith.constant 0 : i32
        %dma_wait3A_661 = arith.constant 0 : i32
        %dma_wait3A_662 = tpu.memref_slice %arg13[%dma_wait3A_660, %dma_wait3A_661] : memref<10240x64xbf16, #tpu.memory_space<vmem_shared>> -> memref<10240x64xbf16, #tpu.memory_space<vmem_shared>>
        tpu.wait_indirect_dma semaphore(%arg29 : memref<!tpu.dma_semaphore, #tpu.memory_space<semaphore_mem>>) src(%dma_wait3A_656 : memref<128x64xbf16, #tpu.memory_space<vmem>>) dst(%dma_wait3A_662 : memref<10240x64xbf16, #tpu.memory_space<vmem_shared>>)
        %convert_element_type3A_663 = arith.extui %eq3A_0 : i1 to i32
        %cond3A_664 = arith.constant 0 : i32
        %cond3A_665 = arith.cmpi ne, %convert_element_type3A_663, %cond3A_664 : i32
        scf.if %cond3A_665 {
          %dma_wait3A_666 = arith.constant 0 : i32
          %dma_wait3A_667 = arith.constant 0 : i32
          %dma_wait3A_668 = tpu.memref_slice %arg9[%dma_wait3A_666, %dma_wait3A_667] : memref<160x128xi32, #tpu.memory_space<vmem>> -> memref<1x128xi32, #tpu.memory_space<vmem>>
          %dma_wait3A_669 = tpu.memref_squeeze %dma_wait3A_668 : memref<1x128xi32, #tpu.memory_space<vmem>> -> memref<128xi32, #tpu.memory_space<vmem>>
          %dma_wait3A_670 = arith.constant 0 : i32
          %dma_wait3A_671 = tpu.memref_slice %arg14[%dma_wait3A_670] : memref<10240xf32, #tpu.memory_space<vmem_shared>> -> memref<10240xf32, #tpu.memory_space<vmem_shared>>
          tpu.wait_indirect_dma semaphore(%arg37 : memref<!tpu.dma_semaphore, #tpu.memory_space<semaphore_mem>>) src(%arg11 : memref<128xf32, #tpu.memory_space<vmem>>) dst(%dma_wait3A_671 : memref<10240xf32, #tpu.memory_space<vmem_shared>>)
        } else {
        }
      } else {
      }
      %lt3A_436 = arith.constant 160 : i32
      %lt3A_437 = arith.cmpi slt, %add3A_427, %lt3A_436 : i32
      %convert_element_type3A_438 = arith.extui %lt3A_437 : i1 to i32
      %cond3A_439 = arith.constant 0 : i32
      %cond3A_440 = arith.cmpi ne, %convert_element_type3A_438, %cond3A_439 : i32
      scf.if %cond3A_440 {
        %dma_start3A_651 = arith.constant 6 : i32
        %dma_start3A_652 = arith.constant 0 : i32
        %dma_start3A_653 = arith.constant 0 : i32
        %dma_start3A_654 = tpu.memref_slice %arg10[%dma_start3A_651, %dma_start3A_652, %dma_start3A_653] : memref<8x128x64xbf16, #tpu.memory_space<vmem>> -> memref<1x128x64xbf16, #tpu.memory_space<vmem>>
        %dma_start3A_655 = tpu.memref_squeeze %dma_start3A_654 : memref<1x128x64xbf16, #tpu.memory_space<vmem>> -> memref<128x64xbf16, #tpu.memory_space<vmem>>
        %dma_start3A_656 = arith.constant 0 : i32
        %dma_start3A_657 = tpu.memref_slice %arg8[%add3A_427, %dma_start3A_656] : memref<160x128xi32, #tpu.memory_space<vmem>> -> memref<1x128xi32, #tpu.memory_space<vmem>>
        %dma_start3A_658 = tpu.memref_squeeze %dma_start3A_657 : memref<1x128xi32, #tpu.memory_space<vmem>> -> memref<128xi32, #tpu.memory_space<vmem>>
        %dma_start3A_659 = arith.constant 0 : i32
        %dma_start3A_660 = arith.constant 0 : i32
        %dma_start3A_661 = tpu.memref_slice %arg2[%dma_start3A_659, %dma_start3A_660] : memref<20000x64xbf16, #tpu.memory_space<hbm>> -> memref<20000x64xbf16, #tpu.memory_space<hbm>>
        tpu.enqueue_indirect_dma source(%dma_start3A_661 : memref<20000x64xbf16, #tpu.memory_space<hbm>>) target(%dma_start3A_655 : memref<128x64xbf16, #tpu.memory_space<vmem>>) offsets(%dma_start3A_658 : memref<128xi32, #tpu.memory_space<vmem>>) semaphore(%arg21 : memref<!tpu.dma_semaphore, #tpu.memory_space<semaphore_mem>>)
      } else {
      }
      %add3A_441 = arith.constant 3 : i32
      %add3A_442 = arith.addi %mul3A_317, %add3A_441 : i32
      %dma_wait3A_443 = arith.constant 3 : i32
      %dma_wait3A_444 = arith.constant 0 : i32
      %dma_wait3A_445 = arith.constant 0 : i32
      %dma_wait3A_446 = tpu.memref_slice %arg10[%dma_wait3A_443, %dma_wait3A_444, %dma_wait3A_445] : memref<8x128x64xbf16, #tpu.memory_space<vmem>> -> memref<1x128x64xbf16, #tpu.memory_space<vmem>>
      %dma_wait3A_447 = tpu.memref_squeeze %dma_wait3A_446 : memref<1x128x64xbf16, #tpu.memory_space<vmem>> -> memref<128x64xbf16, #tpu.memory_space<vmem>>
      %dma_wait3A_448 = arith.constant 0 : i32
      %dma_wait3A_449 = tpu.memref_slice %arg8[%add3A_442, %dma_wait3A_448] : memref<160x128xi32, #tpu.memory_space<vmem>> -> memref<1x128xi32, #tpu.memory_space<vmem>>
      %dma_wait3A_450 = tpu.memref_squeeze %dma_wait3A_449 : memref<1x128xi32, #tpu.memory_space<vmem>> -> memref<128xi32, #tpu.memory_space<vmem>>
      %dma_wait3A_451 = arith.constant 0 : i32
      %dma_wait3A_452 = arith.constant 0 : i32
      %dma_wait3A_453 = tpu.memref_slice %arg2[%dma_wait3A_451, %dma_wait3A_452] : memref<20000x64xbf16, #tpu.memory_space<hbm>> -> memref<20000x64xbf16, #tpu.memory_space<hbm>>
      tpu.wait_indirect_dma semaphore(%arg18 : memref<!tpu.dma_semaphore, #tpu.memory_space<semaphore_mem>>) src(%dma_wait3A_453 : memref<20000x64xbf16, #tpu.memory_space<hbm>>) dst(%dma_wait3A_447 : memref<128x64xbf16, #tpu.memory_space<vmem>>)
      %dma_start3A_454 = arith.constant 3 : i32
      %dma_start3A_455 = arith.constant 0 : i32
      %dma_start3A_456 = arith.constant 0 : i32
      %dma_start3A_457 = tpu.memref_slice %arg10[%dma_start3A_454, %dma_start3A_455, %dma_start3A_456] : memref<8x128x64xbf16, #tpu.memory_space<vmem>> -> memref<1x128x64xbf16, #tpu.memory_space<vmem>>
      %dma_start3A_458 = tpu.memref_squeeze %dma_start3A_457 : memref<1x128x64xbf16, #tpu.memory_space<vmem>> -> memref<128x64xbf16, #tpu.memory_space<vmem>>
      %dma_start3A_459 = arith.constant 0 : i32
      %dma_start3A_460 = tpu.memref_slice %arg9[%add3A_442, %dma_start3A_459] : memref<160x128xi32, #tpu.memory_space<vmem>> -> memref<1x128xi32, #tpu.memory_space<vmem>>
      %dma_start3A_461 = tpu.memref_squeeze %dma_start3A_460 : memref<1x128xi32, #tpu.memory_space<vmem>> -> memref<128xi32, #tpu.memory_space<vmem>>
      %dma_start3A_462 = arith.constant 0 : i32
      %dma_start3A_463 = arith.constant 0 : i32
      %dma_start3A_464 = tpu.memref_slice %arg13[%dma_start3A_462, %dma_start3A_463] : memref<10240x64xbf16, #tpu.memory_space<vmem_shared>> -> memref<10240x64xbf16, #tpu.memory_space<vmem_shared>>
      tpu.enqueue_indirect_dma source(%dma_start3A_458 : memref<128x64xbf16, #tpu.memory_space<vmem>>) target(%dma_start3A_464 : memref<10240x64xbf16, #tpu.memory_space<vmem_shared>>) offsets(%dma_start3A_461 : memref<128xi32, #tpu.memory_space<vmem>>) semaphore(%arg26 : memref<!tpu.dma_semaphore, #tpu.memory_space<semaphore_mem>>) {add = true}
      %convert_element_type3A_465 = arith.extui %eq3A_0 : i1 to i32
      %cond3A_466 = arith.constant 0 : i32
      %cond3A_467 = arith.cmpi ne, %convert_element_type3A_465, %cond3A_466 : i32
      scf.if %cond3A_467 {
        %dma_start3A_651 = arith.constant 0 : i32
        %dma_start3A_652 = tpu.memref_slice %arg9[%add3A_442, %dma_start3A_651] : memref<160x128xi32, #tpu.memory_space<vmem>> -> memref<1x128xi32, #tpu.memory_space<vmem>>
        %dma_start3A_653 = tpu.memref_squeeze %dma_start3A_652 : memref<1x128xi32, #tpu.memory_space<vmem>> -> memref<128xi32, #tpu.memory_space<vmem>>
        %dma_start3A_654 = arith.constant 0 : i32
        %dma_start3A_655 = tpu.memref_slice %arg14[%dma_start3A_654] : memref<10240xf32, #tpu.memory_space<vmem_shared>> -> memref<10240xf32, #tpu.memory_space<vmem_shared>>
        tpu.enqueue_indirect_dma source(%arg11 : memref<128xf32, #tpu.memory_space<vmem>>) target(%dma_start3A_655 : memref<10240xf32, #tpu.memory_space<vmem_shared>>) offsets(%dma_start3A_653 : memref<128xi32, #tpu.memory_space<vmem>>) semaphore(%arg34 : memref<!tpu.dma_semaphore, #tpu.memory_space<semaphore_mem>>) {add = true}
      } else {
      }
      %add3A_468 = arith.constant 4 : i32
      %add3A_469 = arith.addi %add3A_442, %add3A_468 : i32
      %ge3A_470 = arith.constant 4 : i32
      %ge3A_471 = arith.cmpi sge, %add3A_442, %ge3A_470 : i32
      %lt3A_472 = arith.constant 160 : i32
      %lt3A_473 = arith.cmpi slt, %add3A_469, %lt3A_472 : i32
      %and3A_474 = arith.andi %ge3A_471, %lt3A_473 : i1
      %convert_element_type3A_475 = arith.extui %and3A_474 : i1 to i32
      %cond3A_476 = arith.constant 0 : i32
      %cond3A_477 = arith.cmpi ne, %convert_element_type3A_475, %cond3A_476 : i32
      scf.if %cond3A_477 {
        %dma_wait3A_651 = arith.constant 7 : i32
        %dma_wait3A_652 = arith.constant 0 : i32
        %dma_wait3A_653 = arith.constant 0 : i32
        %dma_wait3A_654 = arith.constant 0 : i32
        %dma_wait3A_655 = tpu.memref_slice %arg10[%dma_wait3A_651, %dma_wait3A_653, %dma_wait3A_654] : memref<8x128x64xbf16, #tpu.memory_space<vmem>> -> memref<1x128x64xbf16, #tpu.memory_space<vmem>>
        %dma_wait3A_656 = tpu.memref_squeeze %dma_wait3A_655 : memref<1x128x64xbf16, #tpu.memory_space<vmem>> -> memref<128x64xbf16, #tpu.memory_space<vmem>>
        %dma_wait3A_657 = arith.constant 0 : i32
        %dma_wait3A_658 = tpu.memref_slice %arg9[%dma_wait3A_652, %dma_wait3A_657] : memref<160x128xi32, #tpu.memory_space<vmem>> -> memref<1x128xi32, #tpu.memory_space<vmem>>
        %dma_wait3A_659 = tpu.memref_squeeze %dma_wait3A_658 : memref<1x128xi32, #tpu.memory_space<vmem>> -> memref<128xi32, #tpu.memory_space<vmem>>
        %dma_wait3A_660 = arith.constant 0 : i32
        %dma_wait3A_661 = arith.constant 0 : i32
        %dma_wait3A_662 = tpu.memref_slice %arg13[%dma_wait3A_660, %dma_wait3A_661] : memref<10240x64xbf16, #tpu.memory_space<vmem_shared>> -> memref<10240x64xbf16, #tpu.memory_space<vmem_shared>>
        tpu.wait_indirect_dma semaphore(%arg30 : memref<!tpu.dma_semaphore, #tpu.memory_space<semaphore_mem>>) src(%dma_wait3A_656 : memref<128x64xbf16, #tpu.memory_space<vmem>>) dst(%dma_wait3A_662 : memref<10240x64xbf16, #tpu.memory_space<vmem_shared>>)
        %convert_element_type3A_663 = arith.extui %eq3A_0 : i1 to i32
        %cond3A_664 = arith.constant 0 : i32
        %cond3A_665 = arith.cmpi ne, %convert_element_type3A_663, %cond3A_664 : i32
        scf.if %cond3A_665 {
          %dma_wait3A_666 = arith.constant 0 : i32
          %dma_wait3A_667 = arith.constant 0 : i32
          %dma_wait3A_668 = tpu.memref_slice %arg9[%dma_wait3A_666, %dma_wait3A_667] : memref<160x128xi32, #tpu.memory_space<vmem>> -> memref<1x128xi32, #tpu.memory_space<vmem>>
          %dma_wait3A_669 = tpu.memref_squeeze %dma_wait3A_668 : memref<1x128xi32, #tpu.memory_space<vmem>> -> memref<128xi32, #tpu.memory_space<vmem>>
          %dma_wait3A_670 = arith.constant 0 : i32
          %dma_wait3A_671 = tpu.memref_slice %arg14[%dma_wait3A_670] : memref<10240xf32, #tpu.memory_space<vmem_shared>> -> memref<10240xf32, #tpu.memory_space<vmem_shared>>
          tpu.wait_indirect_dma semaphore(%arg38 : memref<!tpu.dma_semaphore, #tpu.memory_space<semaphore_mem>>) src(%arg11 : memref<128xf32, #tpu.memory_space<vmem>>) dst(%dma_wait3A_671 : memref<10240xf32, #tpu.memory_space<vmem_shared>>)
        } else {
        }
      } else {
      }
      %lt3A_478 = arith.constant 160 : i32
      %lt3A_479 = arith.cmpi slt, %add3A_469, %lt3A_478 : i32
      %convert_element_type3A_480 = arith.extui %lt3A_479 : i1 to i32
      %cond3A_481 = arith.constant 0 : i32
      %cond3A_482 = arith.cmpi ne, %convert_element_type3A_480, %cond3A_481 : i32
      scf.if %cond3A_482 {
        %dma_start3A_651 = arith.constant 7 : i32
        %dma_start3A_652 = arith.constant 0 : i32
        %dma_start3A_653 = arith.constant 0 : i32
        %dma_start3A_654 = tpu.memref_slice %arg10[%dma_start3A_651, %dma_start3A_652, %dma_start3A_653] : memref<8x128x64xbf16, #tpu.memory_space<vmem>> -> memref<1x128x64xbf16, #tpu.memory_space<vmem>>
        %dma_start3A_655 = tpu.memref_squeeze %dma_start3A_654 : memref<1x128x64xbf16, #tpu.memory_space<vmem>> -> memref<128x64xbf16, #tpu.memory_space<vmem>>
        %dma_start3A_656 = arith.constant 0 : i32
        %dma_start3A_657 = tpu.memref_slice %arg8[%add3A_469, %dma_start3A_656] : memref<160x128xi32, #tpu.memory_space<vmem>> -> memref<1x128xi32, #tpu.memory_space<vmem>>
        %dma_start3A_658 = tpu.memref_squeeze %dma_start3A_657 : memref<1x128xi32, #tpu.memory_space<vmem>> -> memref<128xi32, #tpu.memory_space<vmem>>
        %dma_start3A_659 = arith.constant 0 : i32
        %dma_start3A_660 = arith.constant 0 : i32
        %dma_start3A_661 = tpu.memref_slice %arg2[%dma_start3A_659, %dma_start3A_660] : memref<20000x64xbf16, #tpu.memory_space<hbm>> -> memref<20000x64xbf16, #tpu.memory_space<hbm>>
        tpu.enqueue_indirect_dma source(%dma_start3A_661 : memref<20000x64xbf16, #tpu.memory_space<hbm>>) target(%dma_start3A_655 : memref<128x64xbf16, #tpu.memory_space<vmem>>) offsets(%dma_start3A_658 : memref<128xi32, #tpu.memory_space<vmem>>) semaphore(%arg22 : memref<!tpu.dma_semaphore, #tpu.memory_space<semaphore_mem>>)
      } else {
      }
      %add3A_483 = arith.constant 4 : i32
      %add3A_484 = arith.addi %mul3A_317, %add3A_483 : i32
      %dma_wait3A_485 = arith.constant 4 : i32
      %dma_wait3A_486 = arith.constant 0 : i32
      %dma_wait3A_487 = arith.constant 0 : i32
      %dma_wait3A_488 = tpu.memref_slice %arg10[%dma_wait3A_485, %dma_wait3A_486, %dma_wait3A_487] : memref<8x128x64xbf16, #tpu.memory_space<vmem>> -> memref<1x128x64xbf16, #tpu.memory_space<vmem>>
      %dma_wait3A_489 = tpu.memref_squeeze %dma_wait3A_488 : memref<1x128x64xbf16, #tpu.memory_space<vmem>> -> memref<128x64xbf16, #tpu.memory_space<vmem>>
      %dma_wait3A_490 = arith.constant 0 : i32
      %dma_wait3A_491 = tpu.memref_slice %arg8[%add3A_484, %dma_wait3A_490] : memref<160x128xi32, #tpu.memory_space<vmem>> -> memref<1x128xi32, #tpu.memory_space<vmem>>
      %dma_wait3A_492 = tpu.memref_squeeze %dma_wait3A_491 : memref<1x128xi32, #tpu.memory_space<vmem>> -> memref<128xi32, #tpu.memory_space<vmem>>
      %dma_wait3A_493 = arith.constant 0 : i32
      %dma_wait3A_494 = arith.constant 0 : i32
      %dma_wait3A_495 = tpu.memref_slice %arg2[%dma_wait3A_493, %dma_wait3A_494] : memref<20000x64xbf16, #tpu.memory_space<hbm>> -> memref<20000x64xbf16, #tpu.memory_space<hbm>>
      tpu.wait_indirect_dma semaphore(%arg19 : memref<!tpu.dma_semaphore, #tpu.memory_space<semaphore_mem>>) src(%dma_wait3A_495 : memref<20000x64xbf16, #tpu.memory_space<hbm>>) dst(%dma_wait3A_489 : memref<128x64xbf16, #tpu.memory_space<vmem>>)
      %dma_start3A_496 = arith.constant 4 : i32
      %dma_start3A_497 = arith.constant 0 : i32
      %dma_start3A_498 = arith.constant 0 : i32
      %dma_start3A_499 = tpu.memref_slice %arg10[%dma_start3A_496, %dma_start3A_497, %dma_start3A_498] : memref<8x128x64xbf16, #tpu.memory_space<vmem>> -> memref<1x128x64xbf16, #tpu.memory_space<vmem>>
      %dma_start3A_500 = tpu.memref_squeeze %dma_start3A_499 : memref<1x128x64xbf16, #tpu.memory_space<vmem>> -> memref<128x64xbf16, #tpu.memory_space<vmem>>
      %dma_start3A_501 = arith.constant 0 : i32
      %dma_start3A_502 = tpu.memref_slice %arg9[%add3A_484, %dma_start3A_501] : memref<160x128xi32, #tpu.memory_space<vmem>> -> memref<1x128xi32, #tpu.memory_space<vmem>>
      %dma_start3A_503 = tpu.memref_squeeze %dma_start3A_502 : memref<1x128xi32, #tpu.memory_space<vmem>> -> memref<128xi32, #tpu.memory_space<vmem>>
      %dma_start3A_504 = arith.constant 0 : i32
      %dma_start3A_505 = arith.constant 0 : i32
      %dma_start3A_506 = tpu.memref_slice %arg13[%dma_start3A_504, %dma_start3A_505] : memref<10240x64xbf16, #tpu.memory_space<vmem_shared>> -> memref<10240x64xbf16, #tpu.memory_space<vmem_shared>>
      tpu.enqueue_indirect_dma source(%dma_start3A_500 : memref<128x64xbf16, #tpu.memory_space<vmem>>) target(%dma_start3A_506 : memref<10240x64xbf16, #tpu.memory_space<vmem_shared>>) offsets(%dma_start3A_503 : memref<128xi32, #tpu.memory_space<vmem>>) semaphore(%arg27 : memref<!tpu.dma_semaphore, #tpu.memory_space<semaphore_mem>>) {add = true}
      %convert_element_type3A_507 = arith.extui %eq3A_0 : i1 to i32
      %cond3A_508 = arith.constant 0 : i32
      %cond3A_509 = arith.cmpi ne, %convert_element_type3A_507, %cond3A_508 : i32
      scf.if %cond3A_509 {
        %dma_start3A_651 = arith.constant 0 : i32
        %dma_start3A_652 = tpu.memref_slice %arg9[%add3A_484, %dma_start3A_651] : memref<160x128xi32, #tpu.memory_space<vmem>> -> memref<1x128xi32, #tpu.memory_space<vmem>>
        %dma_start3A_653 = tpu.memref_squeeze %dma_start3A_652 : memref<1x128xi32, #tpu.memory_space<vmem>> -> memref<128xi32, #tpu.memory_space<vmem>>
        %dma_start3A_654 = arith.constant 0 : i32
        %dma_start3A_655 = tpu.memref_slice %arg14[%dma_start3A_654] : memref<10240xf32, #tpu.memory_space<vmem_shared>> -> memref<10240xf32, #tpu.memory_space<vmem_shared>>
        tpu.enqueue_indirect_dma source(%arg11 : memref<128xf32, #tpu.memory_space<vmem>>) target(%dma_start3A_655 : memref<10240xf32, #tpu.memory_space<vmem_shared>>) offsets(%dma_start3A_653 : memref<128xi32, #tpu.memory_space<vmem>>) semaphore(%arg35 : memref<!tpu.dma_semaphore, #tpu.memory_space<semaphore_mem>>) {add = true}
      } else {
      }
      %add3A_510 = arith.constant 4 : i32
      %add3A_511 = arith.addi %add3A_484, %add3A_510 : i32
      %ge3A_512 = arith.constant 4 : i32
      %ge3A_513 = arith.cmpi sge, %add3A_484, %ge3A_512 : i32
      %lt3A_514 = arith.constant 160 : i32
      %lt3A_515 = arith.cmpi slt, %add3A_511, %lt3A_514 : i32
      %and3A_516 = arith.andi %ge3A_513, %lt3A_515 : i1
      %convert_element_type3A_517 = arith.extui %and3A_516 : i1 to i32
      %cond3A_518 = arith.constant 0 : i32
      %cond3A_519 = arith.cmpi ne, %convert_element_type3A_517, %cond3A_518 : i32
      scf.if %cond3A_519 {
        %dma_wait3A_651 = arith.constant 0 : i32
        %dma_wait3A_652 = arith.constant 0 : i32
        %dma_wait3A_653 = arith.constant 0 : i32
        %dma_wait3A_654 = arith.constant 0 : i32
        %dma_wait3A_655 = tpu.memref_slice %arg10[%dma_wait3A_651, %dma_wait3A_653, %dma_wait3A_654] : memref<8x128x64xbf16, #tpu.memory_space<vmem>> -> memref<1x128x64xbf16, #tpu.memory_space<vmem>>
        %dma_wait3A_656 = tpu.memref_squeeze %dma_wait3A_655 : memref<1x128x64xbf16, #tpu.memory_space<vmem>> -> memref<128x64xbf16, #tpu.memory_space<vmem>>
        %dma_wait3A_657 = arith.constant 0 : i32
        %dma_wait3A_658 = tpu.memref_slice %arg9[%dma_wait3A_652, %dma_wait3A_657] : memref<160x128xi32, #tpu.memory_space<vmem>> -> memref<1x128xi32, #tpu.memory_space<vmem>>
        %dma_wait3A_659 = tpu.memref_squeeze %dma_wait3A_658 : memref<1x128xi32, #tpu.memory_space<vmem>> -> memref<128xi32, #tpu.memory_space<vmem>>
        %dma_wait3A_660 = arith.constant 0 : i32
        %dma_wait3A_661 = arith.constant 0 : i32
        %dma_wait3A_662 = tpu.memref_slice %arg13[%dma_wait3A_660, %dma_wait3A_661] : memref<10240x64xbf16, #tpu.memory_space<vmem_shared>> -> memref<10240x64xbf16, #tpu.memory_space<vmem_shared>>
        tpu.wait_indirect_dma semaphore(%arg23 : memref<!tpu.dma_semaphore, #tpu.memory_space<semaphore_mem>>) src(%dma_wait3A_656 : memref<128x64xbf16, #tpu.memory_space<vmem>>) dst(%dma_wait3A_662 : memref<10240x64xbf16, #tpu.memory_space<vmem_shared>>)
        %convert_element_type3A_663 = arith.extui %eq3A_0 : i1 to i32
        %cond3A_664 = arith.constant 0 : i32
        %cond3A_665 = arith.cmpi ne, %convert_element_type3A_663, %cond3A_664 : i32
        scf.if %cond3A_665 {
          %dma_wait3A_666 = arith.constant 0 : i32
          %dma_wait3A_667 = arith.constant 0 : i32
          %dma_wait3A_668 = tpu.memref_slice %arg9[%dma_wait3A_666, %dma_wait3A_667] : memref<160x128xi32, #tpu.memory_space<vmem>> -> memref<1x128xi32, #tpu.memory_space<vmem>>
          %dma_wait3A_669 = tpu.memref_squeeze %dma_wait3A_668 : memref<1x128xi32, #tpu.memory_space<vmem>> -> memref<128xi32, #tpu.memory_space<vmem>>
          %dma_wait3A_670 = arith.constant 0 : i32
          %dma_wait3A_671 = tpu.memref_slice %arg14[%dma_wait3A_670] : memref<10240xf32, #tpu.memory_space<vmem_shared>> -> memref<10240xf32, #tpu.memory_space<vmem_shared>>
          tpu.wait_indirect_dma semaphore(%arg31 : memref<!tpu.dma_semaphore, #tpu.memory_space<semaphore_mem>>) src(%arg11 : memref<128xf32, #tpu.memory_space<vmem>>) dst(%dma_wait3A_671 : memref<10240xf32, #tpu.memory_space<vmem_shared>>)
        } else {
        }
      } else {
      }
      %lt3A_520 = arith.constant 160 : i32
      %lt3A_521 = arith.cmpi slt, %add3A_511, %lt3A_520 : i32
      %convert_element_type3A_522 = arith.extui %lt3A_521 : i1 to i32
      %cond3A_523 = arith.constant 0 : i32
      %cond3A_524 = arith.cmpi ne, %convert_element_type3A_522, %cond3A_523 : i32
      scf.if %cond3A_524 {
        %dma_start3A_651 = arith.constant 0 : i32
        %dma_start3A_652 = arith.constant 0 : i32
        %dma_start3A_653 = arith.constant 0 : i32
        %dma_start3A_654 = tpu.memref_slice %arg10[%dma_start3A_651, %dma_start3A_652, %dma_start3A_653] : memref<8x128x64xbf16, #tpu.memory_space<vmem>> -> memref<1x128x64xbf16, #tpu.memory_space<vmem>>
        %dma_start3A_655 = tpu.memref_squeeze %dma_start3A_654 : memref<1x128x64xbf16, #tpu.memory_space<vmem>> -> memref<128x64xbf16, #tpu.memory_space<vmem>>
        %dma_start3A_656 = arith.constant 0 : i32
        %dma_start3A_657 = tpu.memref_slice %arg8[%add3A_511, %dma_start3A_656] : memref<160x128xi32, #tpu.memory_space<vmem>> -> memref<1x128xi32, #tpu.memory_space<vmem>>
        %dma_start3A_658 = tpu.memref_squeeze %dma_start3A_657 : memref<1x128xi32, #tpu.memory_space<vmem>> -> memref<128xi32, #tpu.memory_space<vmem>>
        %dma_start3A_659 = arith.constant 0 : i32
        %dma_start3A_660 = arith.constant 0 : i32
        %dma_start3A_661 = tpu.memref_slice %arg2[%dma_start3A_659, %dma_start3A_660] : memref<20000x64xbf16, #tpu.memory_space<hbm>> -> memref<20000x64xbf16, #tpu.memory_space<hbm>>
        tpu.enqueue_indirect_dma source(%dma_start3A_661 : memref<20000x64xbf16, #tpu.memory_space<hbm>>) target(%dma_start3A_655 : memref<128x64xbf16, #tpu.memory_space<vmem>>) offsets(%dma_start3A_658 : memref<128xi32, #tpu.memory_space<vmem>>) semaphore(%arg15 : memref<!tpu.dma_semaphore, #tpu.memory_space<semaphore_mem>>)
      } else {
      }
      %add3A_525 = arith.constant 5 : i32
      %add3A_526 = arith.addi %mul3A_317, %add3A_525 : i32
      %dma_wait3A_527 = arith.constant 5 : i32
      %dma_wait3A_528 = arith.constant 0 : i32
      %dma_wait3A_529 = arith.constant 0 : i32
      %dma_wait3A_530 = tpu.memref_slice %arg10[%dma_wait3A_527, %dma_wait3A_528, %dma_wait3A_529] : memref<8x128x64xbf16, #tpu.memory_space<vmem>> -> memref<1x128x64xbf16, #tpu.memory_space<vmem>>
      %dma_wait3A_531 = tpu.memref_squeeze %dma_wait3A_530 : memref<1x128x64xbf16, #tpu.memory_space<vmem>> -> memref<128x64xbf16, #tpu.memory_space<vmem>>
      %dma_wait3A_532 = arith.constant 0 : i32
      %dma_wait3A_533 = tpu.memref_slice %arg8[%add3A_526, %dma_wait3A_532] : memref<160x128xi32, #tpu.memory_space<vmem>> -> memref<1x128xi32, #tpu.memory_space<vmem>>
      %dma_wait3A_534 = tpu.memref_squeeze %dma_wait3A_533 : memref<1x128xi32, #tpu.memory_space<vmem>> -> memref<128xi32, #tpu.memory_space<vmem>>
      %dma_wait3A_535 = arith.constant 0 : i32
      %dma_wait3A_536 = arith.constant 0 : i32
      %dma_wait3A_537 = tpu.memref_slice %arg2[%dma_wait3A_535, %dma_wait3A_536] : memref<20000x64xbf16, #tpu.memory_space<hbm>> -> memref<20000x64xbf16, #tpu.memory_space<hbm>>
      tpu.wait_indirect_dma semaphore(%arg20 : memref<!tpu.dma_semaphore, #tpu.memory_space<semaphore_mem>>) src(%dma_wait3A_537 : memref<20000x64xbf16, #tpu.memory_space<hbm>>) dst(%dma_wait3A_531 : memref<128x64xbf16, #tpu.memory_space<vmem>>)
      %dma_start3A_538 = arith.constant 5 : i32
      %dma_start3A_539 = arith.constant 0 : i32
      %dma_start3A_540 = arith.constant 0 : i32
      %dma_start3A_541 = tpu.memref_slice %arg10[%dma_start3A_538, %dma_start3A_539, %dma_start3A_540] : memref<8x128x64xbf16, #tpu.memory_space<vmem>> -> memref<1x128x64xbf16, #tpu.memory_space<vmem>>
      %dma_start3A_542 = tpu.memref_squeeze %dma_start3A_541 : memref<1x128x64xbf16, #tpu.memory_space<vmem>> -> memref<128x64xbf16, #tpu.memory_space<vmem>>
      %dma_start3A_543 = arith.constant 0 : i32
      %dma_start3A_544 = tpu.memref_slice %arg9[%add3A_526, %dma_start3A_543] : memref<160x128xi32, #tpu.memory_space<vmem>> -> memref<1x128xi32, #tpu.memory_space<vmem>>
      %dma_start3A_545 = tpu.memref_squeeze %dma_start3A_544 : memref<1x128xi32, #tpu.memory_space<vmem>> -> memref<128xi32, #tpu.memory_space<vmem>>
      %dma_start3A_546 = arith.constant 0 : i32
      %dma_start3A_547 = arith.constant 0 : i32
      %dma_start3A_548 = tpu.memref_slice %arg13[%dma_start3A_546, %dma_start3A_547] : memref<10240x64xbf16, #tpu.memory_space<vmem_shared>> -> memref<10240x64xbf16, #tpu.memory_space<vmem_shared>>
      tpu.enqueue_indirect_dma source(%dma_start3A_542 : memref<128x64xbf16, #tpu.memory_space<vmem>>) target(%dma_start3A_548 : memref<10240x64xbf16, #tpu.memory_space<vmem_shared>>) offsets(%dma_start3A_545 : memref<128xi32, #tpu.memory_space<vmem>>) semaphore(%arg28 : memref<!tpu.dma_semaphore, #tpu.memory_space<semaphore_mem>>) {add = true}
      %convert_element_type3A_549 = arith.extui %eq3A_0 : i1 to i32
      %cond3A_550 = arith.constant 0 : i32
      %cond3A_551 = arith.cmpi ne, %convert_element_type3A_549, %cond3A_550 : i32
      scf.if %cond3A_551 {
        %dma_start3A_651 = arith.constant 0 : i32
        %dma_start3A_652 = tpu.memref_slice %arg9[%add3A_526, %dma_start3A_651] : memref<160x128xi32, #tpu.memory_space<vmem>> -> memref<1x128xi32, #tpu.memory_space<vmem>>
        %dma_start3A_653 = tpu.memref_squeeze %dma_start3A_652 : memref<1x128xi32, #tpu.memory_space<vmem>> -> memref<128xi32, #tpu.memory_space<vmem>>
        %dma_start3A_654 = arith.constant 0 : i32
        %dma_start3A_655 = tpu.memref_slice %arg14[%dma_start3A_654] : memref<10240xf32, #tpu.memory_space<vmem_shared>> -> memref<10240xf32, #tpu.memory_space<vmem_shared>>
        tpu.enqueue_indirect_dma source(%arg11 : memref<128xf32, #tpu.memory_space<vmem>>) target(%dma_start3A_655 : memref<10240xf32, #tpu.memory_space<vmem_shared>>) offsets(%dma_start3A_653 : memref<128xi32, #tpu.memory_space<vmem>>) semaphore(%arg36 : memref<!tpu.dma_semaphore, #tpu.memory_space<semaphore_mem>>) {add = true}
      } else {
      }
      %add3A_552 = arith.constant 4 : i32
      %add3A_553 = arith.addi %add3A_526, %add3A_552 : i32
      %ge3A_554 = arith.constant 4 : i32
      %ge3A_555 = arith.cmpi sge, %add3A_526, %ge3A_554 : i32
      %lt3A_556 = arith.constant 160 : i32
      %lt3A_557 = arith.cmpi slt, %add3A_553, %lt3A_556 : i32
      %and3A_558 = arith.andi %ge3A_555, %lt3A_557 : i1
      %convert_element_type3A_559 = arith.extui %and3A_558 : i1 to i32
      %cond3A_560 = arith.constant 0 : i32
      %cond3A_561 = arith.cmpi ne, %convert_element_type3A_559, %cond3A_560 : i32
      scf.if %cond3A_561 {
        %dma_wait3A_651 = arith.constant 1 : i32
        %dma_wait3A_652 = arith.constant 0 : i32
        %dma_wait3A_653 = arith.constant 0 : i32
        %dma_wait3A_654 = arith.constant 0 : i32
        %dma_wait3A_655 = tpu.memref_slice %arg10[%dma_wait3A_651, %dma_wait3A_653, %dma_wait3A_654] : memref<8x128x64xbf16, #tpu.memory_space<vmem>> -> memref<1x128x64xbf16, #tpu.memory_space<vmem>>
        %dma_wait3A_656 = tpu.memref_squeeze %dma_wait3A_655 : memref<1x128x64xbf16, #tpu.memory_space<vmem>> -> memref<128x64xbf16, #tpu.memory_space<vmem>>
        %dma_wait3A_657 = arith.constant 0 : i32
        %dma_wait3A_658 = tpu.memref_slice %arg9[%dma_wait3A_652, %dma_wait3A_657] : memref<160x128xi32, #tpu.memory_space<vmem>> -> memref<1x128xi32, #tpu.memory_space<vmem>>
        %dma_wait3A_659 = tpu.memref_squeeze %dma_wait3A_658 : memref<1x128xi32, #tpu.memory_space<vmem>> -> memref<128xi32, #tpu.memory_space<vmem>>
        %dma_wait3A_660 = arith.constant 0 : i32
        %dma_wait3A_661 = arith.constant 0 : i32
        %dma_wait3A_662 = tpu.memref_slice %arg13[%dma_wait3A_660, %dma_wait3A_661] : memref<10240x64xbf16, #tpu.memory_space<vmem_shared>> -> memref<10240x64xbf16, #tpu.memory_space<vmem_shared>>
        tpu.wait_indirect_dma semaphore(%arg24 : memref<!tpu.dma_semaphore, #tpu.memory_space<semaphore_mem>>) src(%dma_wait3A_656 : memref<128x64xbf16, #tpu.memory_space<vmem>>) dst(%dma_wait3A_662 : memref<10240x64xbf16, #tpu.memory_space<vmem_shared>>)
        %convert_element_type3A_663 = arith.extui %eq3A_0 : i1 to i32
        %cond3A_664 = arith.constant 0 : i32
        %cond3A_665 = arith.cmpi ne, %convert_element_type3A_663, %cond3A_664 : i32
        scf.if %cond3A_665 {
          %dma_wait3A_666 = arith.constant 0 : i32
          %dma_wait3A_667 = arith.constant 0 : i32
          %dma_wait3A_668 = tpu.memref_slice %arg9[%dma_wait3A_666, %dma_wait3A_667] : memref<160x128xi32, #tpu.memory_space<vmem>> -> memref<1x128xi32, #tpu.memory_space<vmem>>
          %dma_wait3A_669 = tpu.memref_squeeze %dma_wait3A_668 : memref<1x128xi32, #tpu.memory_space<vmem>> -> memref<128xi32, #tpu.memory_space<vmem>>
          %dma_wait3A_670 = arith.constant 0 : i32
          %dma_wait3A_671 = tpu.memref_slice %arg14[%dma_wait3A_670] : memref<10240xf32, #tpu.memory_space<vmem_shared>> -> memref<10240xf32, #tpu.memory_space<vmem_shared>>
          tpu.wait_indirect_dma semaphore(%arg32 : memref<!tpu.dma_semaphore, #tpu.memory_space<semaphore_mem>>) src(%arg11 : memref<128xf32, #tpu.memory_space<vmem>>) dst(%dma_wait3A_671 : memref<10240xf32, #tpu.memory_space<vmem_shared>>)
        } else {
        }
      } else {
      }
      %lt3A_562 = arith.constant 160 : i32
      %lt3A_563 = arith.cmpi slt, %add3A_553, %lt3A_562 : i32
      %convert_element_type3A_564 = arith.extui %lt3A_563 : i1 to i32
      %cond3A_565 = arith.constant 0 : i32
      %cond3A_566 = arith.cmpi ne, %convert_element_type3A_564, %cond3A_565 : i32
      scf.if %cond3A_566 {
        %dma_start3A_651 = arith.constant 1 : i32
        %dma_start3A_652 = arith.constant 0 : i32
        %dma_start3A_653 = arith.constant 0 : i32
        %dma_start3A_654 = tpu.memref_slice %arg10[%dma_start3A_651, %dma_start3A_652, %dma_start3A_653] : memref<8x128x64xbf16, #tpu.memory_space<vmem>> -> memref<1x128x64xbf16, #tpu.memory_space<vmem>>
        %dma_start3A_655 = tpu.memref_squeeze %dma_start3A_654 : memref<1x128x64xbf16, #tpu.memory_space<vmem>> -> memref<128x64xbf16, #tpu.memory_space<vmem>>
        %dma_start3A_656 = arith.constant 0 : i32
        %dma_start3A_657 = tpu.memref_slice %arg8[%add3A_553, %dma_start3A_656] : memref<160x128xi32, #tpu.memory_space<vmem>> -> memref<1x128xi32, #tpu.memory_space<vmem>>
        %dma_start3A_658 = tpu.memref_squeeze %dma_start3A_657 : memref<1x128xi32, #tpu.memory_space<vmem>> -> memref<128xi32, #tpu.memory_space<vmem>>
        %dma_start3A_659 = arith.constant 0 : i32
        %dma_start3A_660 = arith.constant 0 : i32
        %dma_start3A_661 = tpu.memref_slice %arg2[%dma_start3A_659, %dma_start3A_660] : memref<20000x64xbf16, #tpu.memory_space<hbm>> -> memref<20000x64xbf16, #tpu.memory_space<hbm>>
        tpu.enqueue_indirect_dma source(%dma_start3A_661 : memref<20000x64xbf16, #tpu.memory_space<hbm>>) target(%dma_start3A_655 : memref<128x64xbf16, #tpu.memory_space<vmem>>) offsets(%dma_start3A_658 : memref<128xi32, #tpu.memory_space<vmem>>) semaphore(%arg16 : memref<!tpu.dma_semaphore, #tpu.memory_space<semaphore_mem>>)
      } else {
      }
      %add3A_567 = arith.constant 6 : i32
      %add3A_568 = arith.addi %mul3A_317, %add3A_567 : i32
      %dma_wait3A_569 = arith.constant 6 : i32
      %dma_wait3A_570 = arith.constant 0 : i32
      %dma_wait3A_571 = arith.constant 0 : i32
      %dma_wait3A_572 = tpu.memref_slice %arg10[%dma_wait3A_569, %dma_wait3A_570, %dma_wait3A_571] : memref<8x128x64xbf16, #tpu.memory_space<vmem>> -> memref<1x128x64xbf16, #tpu.memory_space<vmem>>
      %dma_wait3A_573 = tpu.memref_squeeze %dma_wait3A_572 : memref<1x128x64xbf16, #tpu.memory_space<vmem>> -> memref<128x64xbf16, #tpu.memory_space<vmem>>
      %dma_wait3A_574 = arith.constant 0 : i32
      %dma_wait3A_575 = tpu.memref_slice %arg8[%add3A_568, %dma_wait3A_574] : memref<160x128xi32, #tpu.memory_space<vmem>> -> memref<1x128xi32, #tpu.memory_space<vmem>>
      %dma_wait3A_576 = tpu.memref_squeeze %dma_wait3A_575 : memref<1x128xi32, #tpu.memory_space<vmem>> -> memref<128xi32, #tpu.memory_space<vmem>>
      %dma_wait3A_577 = arith.constant 0 : i32
      %dma_wait3A_578 = arith.constant 0 : i32
      %dma_wait3A_579 = tpu.memref_slice %arg2[%dma_wait3A_577, %dma_wait3A_578] : memref<20000x64xbf16, #tpu.memory_space<hbm>> -> memref<20000x64xbf16, #tpu.memory_space<hbm>>
      tpu.wait_indirect_dma semaphore(%arg21 : memref<!tpu.dma_semaphore, #tpu.memory_space<semaphore_mem>>) src(%dma_wait3A_579 : memref<20000x64xbf16, #tpu.memory_space<hbm>>) dst(%dma_wait3A_573 : memref<128x64xbf16, #tpu.memory_space<vmem>>)
      %dma_start3A_580 = arith.constant 6 : i32
      %dma_start3A_581 = arith.constant 0 : i32
      %dma_start3A_582 = arith.constant 0 : i32
      %dma_start3A_583 = tpu.memref_slice %arg10[%dma_start3A_580, %dma_start3A_581, %dma_start3A_582] : memref<8x128x64xbf16, #tpu.memory_space<vmem>> -> memref<1x128x64xbf16, #tpu.memory_space<vmem>>
      %dma_start3A_584 = tpu.memref_squeeze %dma_start3A_583 : memref<1x128x64xbf16, #tpu.memory_space<vmem>> -> memref<128x64xbf16, #tpu.memory_space<vmem>>
      %dma_start3A_585 = arith.constant 0 : i32
      %dma_start3A_586 = tpu.memref_slice %arg9[%add3A_568, %dma_start3A_585] : memref<160x128xi32, #tpu.memory_space<vmem>> -> memref<1x128xi32, #tpu.memory_space<vmem>>
      %dma_start3A_587 = tpu.memref_squeeze %dma_start3A_586 : memref<1x128xi32, #tpu.memory_space<vmem>> -> memref<128xi32, #tpu.memory_space<vmem>>
      %dma_start3A_588 = arith.constant 0 : i32
      %dma_start3A_589 = arith.constant 0 : i32
      %dma_start3A_590 = tpu.memref_slice %arg13[%dma_start3A_588, %dma_start3A_589] : memref<10240x64xbf16, #tpu.memory_space<vmem_shared>> -> memref<10240x64xbf16, #tpu.memory_space<vmem_shared>>
      tpu.enqueue_indirect_dma source(%dma_start3A_584 : memref<128x64xbf16, #tpu.memory_space<vmem>>) target(%dma_start3A_590 : memref<10240x64xbf16, #tpu.memory_space<vmem_shared>>) offsets(%dma_start3A_587 : memref<128xi32, #tpu.memory_space<vmem>>) semaphore(%arg29 : memref<!tpu.dma_semaphore, #tpu.memory_space<semaphore_mem>>) {add = true}
      %convert_element_type3A_591 = arith.extui %eq3A_0 : i1 to i32
      %cond3A_592 = arith.constant 0 : i32
      %cond3A_593 = arith.cmpi ne, %convert_element_type3A_591, %cond3A_592 : i32
      scf.if %cond3A_593 {
        %dma_start3A_651 = arith.constant 0 : i32
        %dma_start3A_652 = tpu.memref_slice %arg9[%add3A_568, %dma_start3A_651] : memref<160x128xi32, #tpu.memory_space<vmem>> -> memref<1x128xi32, #tpu.memory_space<vmem>>
        %dma_start3A_653 = tpu.memref_squeeze %dma_start3A_652 : memref<1x128xi32, #tpu.memory_space<vmem>> -> memref<128xi32, #tpu.memory_space<vmem>>
        %dma_start3A_654 = arith.constant 0 : i32
        %dma_start3A_655 = tpu.memref_slice %arg14[%dma_start3A_654] : memref<10240xf32, #tpu.memory_space<vmem_shared>> -> memref<10240xf32, #tpu.memory_space<vmem_shared>>
        tpu.enqueue_indirect_dma source(%arg11 : memref<128xf32, #tpu.memory_space<vmem>>) target(%dma_start3A_655 : memref<10240xf32, #tpu.memory_space<vmem_shared>>) offsets(%dma_start3A_653 : memref<128xi32, #tpu.memory_space<vmem>>) semaphore(%arg37 : memref<!tpu.dma_semaphore, #tpu.memory_space<semaphore_mem>>) {add = true}
      } else {
      }
      %add3A_594 = arith.constant 4 : i32
      %add3A_595 = arith.addi %add3A_568, %add3A_594 : i32
      %ge3A_596 = arith.constant 4 : i32
      %ge3A_597 = arith.cmpi sge, %add3A_568, %ge3A_596 : i32
      %lt3A_598 = arith.constant 160 : i32
      %lt3A_599 = arith.cmpi slt, %add3A_595, %lt3A_598 : i32
      %and3A_600 = arith.andi %ge3A_597, %lt3A_599 : i1
      %convert_element_type3A_601 = arith.extui %and3A_600 : i1 to i32
      %cond3A_602 = arith.constant 0 : i32
      %cond3A_603 = arith.cmpi ne, %convert_element_type3A_601, %cond3A_602 : i32
      scf.if %cond3A_603 {
        %dma_wait3A_651 = arith.constant 2 : i32
        %dma_wait3A_652 = arith.constant 0 : i32
        %dma_wait3A_653 = arith.constant 0 : i32
        %dma_wait3A_654 = arith.constant 0 : i32
        %dma_wait3A_655 = tpu.memref_slice %arg10[%dma_wait3A_651, %dma_wait3A_653, %dma_wait3A_654] : memref<8x128x64xbf16, #tpu.memory_space<vmem>> -> memref<1x128x64xbf16, #tpu.memory_space<vmem>>
        %dma_wait3A_656 = tpu.memref_squeeze %dma_wait3A_655 : memref<1x128x64xbf16, #tpu.memory_space<vmem>> -> memref<128x64xbf16, #tpu.memory_space<vmem>>
        %dma_wait3A_657 = arith.constant 0 : i32
        %dma_wait3A_658 = tpu.memref_slice %arg9[%dma_wait3A_652, %dma_wait3A_657] : memref<160x128xi32, #tpu.memory_space<vmem>> -> memref<1x128xi32, #tpu.memory_space<vmem>>
        %dma_wait3A_659 = tpu.memref_squeeze %dma_wait3A_658 : memref<1x128xi32, #tpu.memory_space<vmem>> -> memref<128xi32, #tpu.memory_space<vmem>>
        %dma_wait3A_660 = arith.constant 0 : i32
        %dma_wait3A_661 = arith.constant 0 : i32
        %dma_wait3A_662 = tpu.memref_slice %arg13[%dma_wait3A_660, %dma_wait3A_661] : memref<10240x64xbf16, #tpu.memory_space<vmem_shared>> -> memref<10240x64xbf16, #tpu.memory_space<vmem_shared>>
        tpu.wait_indirect_dma semaphore(%arg25 : memref<!tpu.dma_semaphore, #tpu.memory_space<semaphore_mem>>) src(%dma_wait3A_656 : memref<128x64xbf16, #tpu.memory_space<vmem>>) dst(%dma_wait3A_662 : memref<10240x64xbf16, #tpu.memory_space<vmem_shared>>)
        %convert_element_type3A_663 = arith.extui %eq3A_0 : i1 to i32
        %cond3A_664 = arith.constant 0 : i32
        %cond3A_665 = arith.cmpi ne, %convert_element_type3A_663, %cond3A_664 : i32
        scf.if %cond3A_665 {
          %dma_wait3A_666 = arith.constant 0 : i32
          %dma_wait3A_667 = arith.constant 0 : i32
          %dma_wait3A_668 = tpu.memref_slice %arg9[%dma_wait3A_666, %dma_wait3A_667] : memref<160x128xi32, #tpu.memory_space<vmem>> -> memref<1x128xi32, #tpu.memory_space<vmem>>
          %dma_wait3A_669 = tpu.memref_squeeze %dma_wait3A_668 : memref<1x128xi32, #tpu.memory_space<vmem>> -> memref<128xi32, #tpu.memory_space<vmem>>
          %dma_wait3A_670 = arith.constant 0 : i32
          %dma_wait3A_671 = tpu.memref_slice %arg14[%dma_wait3A_670] : memref<10240xf32, #tpu.memory_space<vmem_shared>> -> memref<10240xf32, #tpu.memory_space<vmem_shared>>
          tpu.wait_indirect_dma semaphore(%arg33 : memref<!tpu.dma_semaphore, #tpu.memory_space<semaphore_mem>>) src(%arg11 : memref<128xf32, #tpu.memory_space<vmem>>) dst(%dma_wait3A_671 : memref<10240xf32, #tpu.memory_space<vmem_shared>>)
        } else {
        }
      } else {
      }
      %lt3A_604 = arith.constant 160 : i32
      %lt3A_605 = arith.cmpi slt, %add3A_595, %lt3A_604 : i32
      %convert_element_type3A_606 = arith.extui %lt3A_605 : i1 to i32
      %cond3A_607 = arith.constant 0 : i32
      %cond3A_608 = arith.cmpi ne, %convert_element_type3A_606, %cond3A_607 : i32
      scf.if %cond3A_608 {
        %dma_start3A_651 = arith.constant 2 : i32
        %dma_start3A_652 = arith.constant 0 : i32
        %dma_start3A_653 = arith.constant 0 : i32
        %dma_start3A_654 = tpu.memref_slice %arg10[%dma_start3A_651, %dma_start3A_652, %dma_start3A_653] : memref<8x128x64xbf16, #tpu.memory_space<vmem>> -> memref<1x128x64xbf16, #tpu.memory_space<vmem>>
        %dma_start3A_655 = tpu.memref_squeeze %dma_start3A_654 : memref<1x128x64xbf16, #tpu.memory_space<vmem>> -> memref<128x64xbf16, #tpu.memory_space<vmem>>
        %dma_start3A_656 = arith.constant 0 : i32
        %dma_start3A_657 = tpu.memref_slice %arg8[%add3A_595, %dma_start3A_656] : memref<160x128xi32, #tpu.memory_space<vmem>> -> memref<1x128xi32, #tpu.memory_space<vmem>>
        %dma_start3A_658 = tpu.memref_squeeze %dma_start3A_657 : memref<1x128xi32, #tpu.memory_space<vmem>> -> memref<128xi32, #tpu.memory_space<vmem>>
        %dma_start3A_659 = arith.constant 0 : i32
        %dma_start3A_660 = arith.constant 0 : i32
        %dma_start3A_661 = tpu.memref_slice %arg2[%dma_start3A_659, %dma_start3A_660] : memref<20000x64xbf16, #tpu.memory_space<hbm>> -> memref<20000x64xbf16, #tpu.memory_space<hbm>>
        tpu.enqueue_indirect_dma source(%dma_start3A_661 : memref<20000x64xbf16, #tpu.memory_space<hbm>>) target(%dma_start3A_655 : memref<128x64xbf16, #tpu.memory_space<vmem>>) offsets(%dma_start3A_658 : memref<128xi32, #tpu.memory_space<vmem>>) semaphore(%arg17 : memref<!tpu.dma_semaphore, #tpu.memory_space<semaphore_mem>>)
      } else {
      }
      %add3A_609 = arith.constant 7 : i32
      %add3A_610 = arith.addi %mul3A_317, %add3A_609 : i32
      %dma_wait3A_611 = arith.constant 7 : i32
      %dma_wait3A_612 = arith.constant 0 : i32
      %dma_wait3A_613 = arith.constant 0 : i32
      %dma_wait3A_614 = tpu.memref_slice %arg10[%dma_wait3A_611, %dma_wait3A_612, %dma_wait3A_613] : memref<8x128x64xbf16, #tpu.memory_space<vmem>> -> memref<1x128x64xbf16, #tpu.memory_space<vmem>>
      %dma_wait3A_615 = tpu.memref_squeeze %dma_wait3A_614 : memref<1x128x64xbf16, #tpu.memory_space<vmem>> -> memref<128x64xbf16, #tpu.memory_space<vmem>>
      %dma_wait3A_616 = arith.constant 0 : i32
      %dma_wait3A_617 = tpu.memref_slice %arg8[%add3A_610, %dma_wait3A_616] : memref<160x128xi32, #tpu.memory_space<vmem>> -> memref<1x128xi32, #tpu.memory_space<vmem>>
      %dma_wait3A_618 = tpu.memref_squeeze %dma_wait3A_617 : memref<1x128xi32, #tpu.memory_space<vmem>> -> memref<128xi32, #tpu.memory_space<vmem>>
      %dma_wait3A_619 = arith.constant 0 : i32
      %dma_wait3A_620 = arith.constant 0 : i32
      %dma_wait3A_621 = tpu.memref_slice %arg2[%dma_wait3A_619, %dma_wait3A_620] : memref<20000x64xbf16, #tpu.memory_space<hbm>> -> memref<20000x64xbf16, #tpu.memory_space<hbm>>
      tpu.wait_indirect_dma semaphore(%arg22 : memref<!tpu.dma_semaphore, #tpu.memory_space<semaphore_mem>>) src(%dma_wait3A_621 : memref<20000x64xbf16, #tpu.memory_space<hbm>>) dst(%dma_wait3A_615 : memref<128x64xbf16, #tpu.memory_space<vmem>>)
      %dma_start3A_622 = arith.constant 7 : i32
      %dma_start3A_623 = arith.constant 0 : i32
      %dma_start3A_624 = arith.constant 0 : i32
      %dma_start3A_625 = tpu.memref_slice %arg10[%dma_start3A_622, %dma_start3A_623, %dma_start3A_624] : memref<8x128x64xbf16, #tpu.memory_space<vmem>> -> memref<1x128x64xbf16, #tpu.memory_space<vmem>>
      %dma_start3A_626 = tpu.memref_squeeze %dma_start3A_625 : memref<1x128x64xbf16, #tpu.memory_space<vmem>> -> memref<128x64xbf16, #tpu.memory_space<vmem>>
      %dma_start3A_627 = arith.constant 0 : i32
      %dma_start3A_628 = tpu.memref_slice %arg9[%add3A_610, %dma_start3A_627] : memref<160x128xi32, #tpu.memory_space<vmem>> -> memref<1x128xi32, #tpu.memory_space<vmem>>
      %dma_start3A_629 = tpu.memref_squeeze %dma_start3A_628 : memref<1x128xi32, #tpu.memory_space<vmem>> -> memref<128xi32, #tpu.memory_space<vmem>>
      %dma_start3A_630 = arith.constant 0 : i32
      %dma_start3A_631 = arith.constant 0 : i32
      %dma_start3A_632 = tpu.memref_slice %arg13[%dma_start3A_630, %dma_start3A_631] : memref<10240x64xbf16, #tpu.memory_space<vmem_shared>> -> memref<10240x64xbf16, #tpu.memory_space<vmem_shared>>
      tpu.enqueue_indirect_dma source(%dma_start3A_626 : memref<128x64xbf16, #tpu.memory_space<vmem>>) target(%dma_start3A_632 : memref<10240x64xbf16, #tpu.memory_space<vmem_shared>>) offsets(%dma_start3A_629 : memref<128xi32, #tpu.memory_space<vmem>>) semaphore(%arg30 : memref<!tpu.dma_semaphore, #tpu.memory_space<semaphore_mem>>) {add = true}
      %convert_element_type3A_633 = arith.extui %eq3A_0 : i1 to i32
      %cond3A_634 = arith.constant 0 : i32
      %cond3A_635 = arith.cmpi ne, %convert_element_type3A_633, %cond3A_634 : i32
      scf.if %cond3A_635 {
        %dma_start3A_651 = arith.constant 0 : i32
        %dma_start3A_652 = tpu.memref_slice %arg9[%add3A_610, %dma_start3A_651] : memref<160x128xi32, #tpu.memory_space<vmem>> -> memref<1x128xi32, #tpu.memory_space<vmem>>
        %dma_start3A_653 = tpu.memref_squeeze %dma_start3A_652 : memref<1x128xi32, #tpu.memory_space<vmem>> -> memref<128xi32, #tpu.memory_space<vmem>>
        %dma_start3A_654 = arith.constant 0 : i32
        %dma_start3A_655 = tpu.memref_slice %arg14[%dma_start3A_654] : memref<10240xf32, #tpu.memory_space<vmem_shared>> -> memref<10240xf32, #tpu.memory_space<vmem_shared>>
        tpu.enqueue_indirect_dma source(%arg11 : memref<128xf32, #tpu.memory_space<vmem>>) target(%dma_start3A_655 : memref<10240xf32, #tpu.memory_space<vmem_shared>>) offsets(%dma_start3A_653 : memref<128xi32, #tpu.memory_space<vmem>>) semaphore(%arg38 : memref<!tpu.dma_semaphore, #tpu.memory_space<semaphore_mem>>) {add = true}
      } else {
      }
      %add3A_636 = arith.constant 4 : i32
      %add3A_637 = arith.addi %add3A_610, %add3A_636 : i32
      %ge3A_638 = arith.constant 4 : i32
      %ge3A_639 = arith.cmpi sge, %add3A_610, %ge3A_638 : i32
      %lt3A_640 = arith.constant 160 : i32
      %lt3A_641 = arith.cmpi slt, %add3A_637, %lt3A_640 : i32
      %and3A_642 = arith.andi %ge3A_639, %lt3A_641 : i1
      %convert_element_type3A_643 = arith.extui %and3A_642 : i1 to i32
      %cond3A_644 = arith.constant 0 : i32
      %cond3A_645 = arith.cmpi ne, %convert_element_type3A_643, %cond3A_644 : i32
      scf.if %cond3A_645 {
        %dma_wait3A_651 = arith.constant 3 : i32
        %dma_wait3A_652 = arith.constant 0 : i32
        %dma_wait3A_653 = arith.constant 0 : i32
        %dma_wait3A_654 = arith.constant 0 : i32
        %dma_wait3A_655 = tpu.memref_slice %arg10[%dma_wait3A_651, %dma_wait3A_653, %dma_wait3A_654] : memref<8x128x64xbf16, #tpu.memory_space<vmem>> -> memref<1x128x64xbf16, #tpu.memory_space<vmem>>
        %dma_wait3A_656 = tpu.memref_squeeze %dma_wait3A_655 : memref<1x128x64xbf16, #tpu.memory_space<vmem>> -> memref<128x64xbf16, #tpu.memory_space<vmem>>
        %dma_wait3A_657 = arith.constant 0 : i32
        %dma_wait3A_658 = tpu.memref_slice %arg9[%dma_wait3A_652, %dma_wait3A_657] : memref<160x128xi32, #tpu.memory_space<vmem>> -> memref<1x128xi32, #tpu.memory_space<vmem>>
        %dma_wait3A_659 = tpu.memref_squeeze %dma_wait3A_658 : memref<1x128xi32, #tpu.memory_space<vmem>> -> memref<128xi32, #tpu.memory_space<vmem>>
        %dma_wait3A_660 = arith.constant 0 : i32
        %dma_wait3A_661 = arith.constant 0 : i32
        %dma_wait3A_662 = tpu.memref_slice %arg13[%dma_wait3A_660, %dma_wait3A_661] : memref<10240x64xbf16, #tpu.memory_space<vmem_shared>> -> memref<10240x64xbf16, #tpu.memory_space<vmem_shared>>
        tpu.wait_indirect_dma semaphore(%arg26 : memref<!tpu.dma_semaphore, #tpu.memory_space<semaphore_mem>>) src(%dma_wait3A_656 : memref<128x64xbf16, #tpu.memory_space<vmem>>) dst(%dma_wait3A_662 : memref<10240x64xbf16, #tpu.memory_space<vmem_shared>>)
        %convert_element_type3A_663 = arith.extui %eq3A_0 : i1 to i32
        %cond3A_664 = arith.constant 0 : i32
        %cond3A_665 = arith.cmpi ne, %convert_element_type3A_663, %cond3A_664 : i32
        scf.if %cond3A_665 {
          %dma_wait3A_666 = arith.constant 0 : i32
          %dma_wait3A_667 = arith.constant 0 : i32
          %dma_wait3A_668 = tpu.memref_slice %arg9[%dma_wait3A_666, %dma_wait3A_667] : memref<160x128xi32, #tpu.memory_space<vmem>> -> memref<1x128xi32, #tpu.memory_space<vmem>>
          %dma_wait3A_669 = tpu.memref_squeeze %dma_wait3A_668 : memref<1x128xi32, #tpu.memory_space<vmem>> -> memref<128xi32, #tpu.memory_space<vmem>>
          %dma_wait3A_670 = arith.constant 0 : i32
          %dma_wait3A_671 = tpu.memref_slice %arg14[%dma_wait3A_670] : memref<10240xf32, #tpu.memory_space<vmem_shared>> -> memref<10240xf32, #tpu.memory_space<vmem_shared>>
          tpu.wait_indirect_dma semaphore(%arg34 : memref<!tpu.dma_semaphore, #tpu.memory_space<semaphore_mem>>) src(%arg11 : memref<128xf32, #tpu.memory_space<vmem>>) dst(%dma_wait3A_671 : memref<10240xf32, #tpu.memory_space<vmem_shared>>)
        } else {
        }
      } else {
      }
      %lt3A_646 = arith.constant 160 : i32
      %lt3A_647 = arith.cmpi slt, %add3A_637, %lt3A_646 : i32
      %convert_element_type3A_648 = arith.extui %lt3A_647 : i1 to i32
      %cond3A_649 = arith.constant 0 : i32
      %cond3A_650 = arith.cmpi ne, %convert_element_type3A_648, %cond3A_649 : i32
      scf.if %cond3A_650 {
        %dma_start3A_651 = arith.constant 3 : i32
        %dma_start3A_652 = arith.constant 0 : i32
        %dma_start3A_653 = arith.constant 0 : i32
        %dma_start3A_654 = tpu.memref_slice %arg10[%dma_start3A_651, %dma_start3A_652, %dma_start3A_653] : memref<8x128x64xbf16, #tpu.memory_space<vmem>> -> memref<1x128x64xbf16, #tpu.memory_space<vmem>>
        %dma_start3A_655 = tpu.memref_squeeze %dma_start3A_654 : memref<1x128x64xbf16, #tpu.memory_space<vmem>> -> memref<128x64xbf16, #tpu.memory_space<vmem>>
        %dma_start3A_656 = arith.constant 0 : i32
        %dma_start3A_657 = tpu.memref_slice %arg8[%add3A_637, %dma_start3A_656] : memref<160x128xi32, #tpu.memory_space<vmem>> -> memref<1x128xi32, #tpu.memory_space<vmem>>
        %dma_start3A_658 = tpu.memref_squeeze %dma_start3A_657 : memref<1x128xi32, #tpu.memory_space<vmem>> -> memref<128xi32, #tpu.memory_space<vmem>>
        %dma_start3A_659 = arith.constant 0 : i32
        %dma_start3A_660 = arith.constant 0 : i32
        %dma_start3A_661 = tpu.memref_slice %arg2[%dma_start3A_659, %dma_start3A_660] : memref<20000x64xbf16, #tpu.memory_space<hbm>> -> memref<20000x64xbf16, #tpu.memory_space<hbm>>
        tpu.enqueue_indirect_dma source(%dma_start3A_661 : memref<20000x64xbf16, #tpu.memory_space<hbm>>) target(%dma_start3A_655 : memref<128x64xbf16, #tpu.memory_space<vmem>>) offsets(%dma_start3A_658 : memref<128xi32, #tpu.memory_space<vmem>>) semaphore(%arg18 : memref<!tpu.dma_semaphore, #tpu.memory_space<semaphore_mem>>)
      } else {
      }
    }
    %scan3A_184 = arith.constant 20 : i32
    %dma_wait3A = arith.constant 0 : i32
    %dma_wait3A_185 = arith.constant 0 : i32
    %dma_wait3A_186 = arith.constant 0 : i32
    %dma_wait3A_187 = arith.constant 0 : i32
    %dma_wait3A_188 = tpu.memref_slice %arg10[%dma_wait3A, %dma_wait3A_186, %dma_wait3A_187] : memref<8x128x64xbf16, #tpu.memory_space<vmem>> -> memref<1x128x64xbf16, #tpu.memory_space<vmem>>
    %dma_wait3A_189 = tpu.memref_squeeze %dma_wait3A_188 : memref<1x128x64xbf16, #tpu.memory_space<vmem>> -> memref<128x64xbf16, #tpu.memory_space<vmem>>
    %dma_wait3A_190 = arith.constant 0 : i32
    %dma_wait3A_191 = tpu.memref_slice %arg9[%dma_wait3A_185, %dma_wait3A_190] : memref<160x128xi32, #tpu.memory_space<vmem>> -> memref<1x128xi32, #tpu.memory_space<vmem>>
    %dma_wait3A_192 = tpu.memref_squeeze %dma_wait3A_191 : memref<1x128xi32, #tpu.memory_space<vmem>> -> memref<128xi32, #tpu.memory_space<vmem>>
    %dma_wait3A_193 = arith.constant 0 : i32
    %dma_wait3A_194 = arith.constant 0 : i32
    %dma_wait3A_195 = tpu.memref_slice %arg13[%dma_wait3A_193, %dma_wait3A_194] : memref<10240x64xbf16, #tpu.memory_space<vmem_shared>> -> memref<10240x64xbf16, #tpu.memory_space<vmem_shared>>
    tpu.wait_indirect_dma semaphore(%arg23 : memref<!tpu.dma_semaphore, #tpu.memory_space<semaphore_mem>>) src(%dma_wait3A_189 : memref<128x64xbf16, #tpu.memory_space<vmem>>) dst(%dma_wait3A_195 : memref<10240x64xbf16, #tpu.memory_space<vmem_shared>>)
    %convert_element_type3A_196 = arith.extui %eq3A_0 : i1 to i32
    %cond3A_197 = arith.constant 0 : i32
    %cond3A_198 = arith.cmpi ne, %convert_element_type3A_196, %cond3A_197 : i32
    scf.if %cond3A_198 {
      %dma_wait3A_315 = arith.constant 0 : i32
      %dma_wait3A_316 = arith.constant 0 : i32
      %dma_wait3A_317 = tpu.memref_slice %arg9[%dma_wait3A_315, %dma_wait3A_316] : memref<160x128xi32, #tpu.memory_space<vmem>> -> memref<1x128xi32, #tpu.memory_space<vmem>>
      %dma_wait3A_318 = tpu.memref_squeeze %dma_wait3A_317 : memref<1x128xi32, #tpu.memory_space<vmem>> -> memref<128xi32, #tpu.memory_space<vmem>>
      %dma_wait3A_319 = arith.constant 0 : i32
      %dma_wait3A_320 = tpu.memref_slice %arg14[%dma_wait3A_319] : memref<10240xf32, #tpu.memory_space<vmem_shared>> -> memref<10240xf32, #tpu.memory_space<vmem_shared>>
      tpu.wait_indirect_dma semaphore(%arg31 : memref<!tpu.dma_semaphore, #tpu.memory_space<semaphore_mem>>) src(%arg11 : memref<128xf32, #tpu.memory_space<vmem>>) dst(%dma_wait3A_320 : memref<10240xf32, #tpu.memory_space<vmem_shared>>)
    } else {
    }
    %dma_wait3A_199 = arith.constant 1 : i32
    %dma_wait3A_200 = arith.constant 0 : i32
    %dma_wait3A_201 = arith.constant 0 : i32
    %dma_wait3A_202 = arith.constant 0 : i32
    %dma_wait3A_203 = tpu.memref_slice %arg10[%dma_wait3A_199, %dma_wait3A_201, %dma_wait3A_202] : memref<8x128x64xbf16, #tpu.memory_space<vmem>> -> memref<1x128x64xbf16, #tpu.memory_space<vmem>>
    %dma_wait3A_204 = tpu.memref_squeeze %dma_wait3A_203 : memref<1x128x64xbf16, #tpu.memory_space<vmem>> -> memref<128x64xbf16, #tpu.memory_space<vmem>>
    %dma_wait3A_205 = arith.constant 0 : i32
    %dma_wait3A_206 = tpu.memref_slice %arg9[%dma_wait3A_200, %dma_wait3A_205] : memref<160x128xi32, #tpu.memory_space<vmem>> -> memref<1x128xi32, #tpu.memory_space<vmem>>
    %dma_wait3A_207 = tpu.memref_squeeze %dma_wait3A_206 : memref<1x128xi32, #tpu.memory_space<vmem>> -> memref<128xi32, #tpu.memory_space<vmem>>
    %dma_wait3A_208 = arith.constant 0 : i32
    %dma_wait3A_209 = arith.constant 0 : i32
    %dma_wait3A_210 = tpu.memref_slice %arg13[%dma_wait3A_208, %dma_wait3A_209] : memref<10240x64xbf16, #tpu.memory_space<vmem_shared>> -> memref<10240x64xbf16, #tpu.memory_space<vmem_shared>>
    tpu.wait_indirect_dma semaphore(%arg24 : memref<!tpu.dma_semaphore, #tpu.memory_space<semaphore_mem>>) src(%dma_wait3A_204 : memref<128x64xbf16, #tpu.memory_space<vmem>>) dst(%dma_wait3A_210 : memref<10240x64xbf16, #tpu.memory_space<vmem_shared>>)
    %convert_element_type3A_211 = arith.extui %eq3A_0 : i1 to i32
    %cond3A_212 = arith.constant 0 : i32
    %cond3A_213 = arith.cmpi ne, %convert_element_type3A_211, %cond3A_212 : i32
    scf.if %cond3A_213 {
      %dma_wait3A_315 = arith.constant 0 : i32
      %dma_wait3A_316 = arith.constant 0 : i32
      %dma_wait3A_317 = tpu.memref_slice %arg9[%dma_wait3A_315, %dma_wait3A_316] : memref<160x128xi32, #tpu.memory_space<vmem>> -> memref<1x128xi32, #tpu.memory_space<vmem>>
      %dma_wait3A_318 = tpu.memref_squeeze %dma_wait3A_317 : memref<1x128xi32, #tpu.memory_space<vmem>> -> memref<128xi32, #tpu.memory_space<vmem>>
      %dma_wait3A_319 = arith.constant 0 : i32
      %dma_wait3A_320 = tpu.memref_slice %arg14[%dma_wait3A_319] : memref<10240xf32, #tpu.memory_space<vmem_shared>> -> memref<10240xf32, #tpu.memory_space<vmem_shared>>
      tpu.wait_indirect_dma semaphore(%arg32 : memref<!tpu.dma_semaphore, #tpu.memory_space<semaphore_mem>>) src(%arg11 : memref<128xf32, #tpu.memory_space<vmem>>) dst(%dma_wait3A_320 : memref<10240xf32, #tpu.memory_space<vmem_shared>>)
    } else {
    }
    %dma_wait3A_214 = arith.constant 2 : i32
    %dma_wait3A_215 = arith.constant 0 : i32
    %dma_wait3A_216 = arith.constant 0 : i32
    %dma_wait3A_217 = arith.constant 0 : i32
    %dma_wait3A_218 = tpu.memref_slice %arg10[%dma_wait3A_214, %dma_wait3A_216, %dma_wait3A_217] : memref<8x128x64xbf16, #tpu.memory_space<vmem>> -> memref<1x128x64xbf16, #tpu.memory_space<vmem>>
    %dma_wait3A_219 = tpu.memref_squeeze %dma_wait3A_218 : memref<1x128x64xbf16, #tpu.memory_space<vmem>> -> memref<128x64xbf16, #tpu.memory_space<vmem>>
    %dma_wait3A_220 = arith.constant 0 : i32
    %dma_wait3A_221 = tpu.memref_slice %arg9[%dma_wait3A_215, %dma_wait3A_220] : memref<160x128xi32, #tpu.memory_space<vmem>> -> memref<1x128xi32, #tpu.memory_space<vmem>>
    %dma_wait3A_222 = tpu.memref_squeeze %dma_wait3A_221 : memref<1x128xi32, #tpu.memory_space<vmem>> -> memref<128xi32, #tpu.memory_space<vmem>>
    %dma_wait3A_223 = arith.constant 0 : i32
    %dma_wait3A_224 = arith.constant 0 : i32
    %dma_wait3A_225 = tpu.memref_slice %arg13[%dma_wait3A_223, %dma_wait3A_224] : memref<10240x64xbf16, #tpu.memory_space<vmem_shared>> -> memref<10240x64xbf16, #tpu.memory_space<vmem_shared>>
    tpu.wait_indirect_dma semaphore(%arg25 : memref<!tpu.dma_semaphore, #tpu.memory_space<semaphore_mem>>) src(%dma_wait3A_219 : memref<128x64xbf16, #tpu.memory_space<vmem>>) dst(%dma_wait3A_225 : memref<10240x64xbf16, #tpu.memory_space<vmem_shared>>)
    %convert_element_type3A_226 = arith.extui %eq3A_0 : i1 to i32
    %cond3A_227 = arith.constant 0 : i32
    %cond3A_228 = arith.cmpi ne, %convert_element_type3A_226, %cond3A_227 : i32
    scf.if %cond3A_228 {
      %dma_wait3A_315 = arith.constant 0 : i32
      %dma_wait3A_316 = arith.constant 0 : i32
      %dma_wait3A_317 = tpu.memref_slice %arg9[%dma_wait3A_315, %dma_wait3A_316] : memref<160x128xi32, #tpu.memory_space<vmem>> -> memref<1x128xi32, #tpu.memory_space<vmem>>
      %dma_wait3A_318 = tpu.memref_squeeze %dma_wait3A_317 : memref<1x128xi32, #tpu.memory_space<vmem>> -> memref<128xi32, #tpu.memory_space<vmem>>
      %dma_wait3A_319 = arith.constant 0 : i32
      %dma_wait3A_320 = tpu.memref_slice %arg14[%dma_wait3A_319] : memref<10240xf32, #tpu.memory_space<vmem_shared>> -> memref<10240xf32, #tpu.memory_space<vmem_shared>>
      tpu.wait_indirect_dma semaphore(%arg33 : memref<!tpu.dma_semaphore, #tpu.memory_space<semaphore_mem>>) src(%arg11 : memref<128xf32, #tpu.memory_space<vmem>>) dst(%dma_wait3A_320 : memref<10240xf32, #tpu.memory_space<vmem_shared>>)
    } else {
    }
    %dma_wait3A_229 = arith.constant 3 : i32
    %dma_wait3A_230 = arith.constant 0 : i32
    %dma_wait3A_231 = arith.constant 0 : i32
    %dma_wait3A_232 = arith.constant 0 : i32
    %dma_wait3A_233 = tpu.memref_slice %arg10[%dma_wait3A_229, %dma_wait3A_231, %dma_wait3A_232] : memref<8x128x64xbf16, #tpu.memory_space<vmem>> -> memref<1x128x64xbf16, #tpu.memory_space<vmem>>
    %dma_wait3A_234 = tpu.memref_squeeze %dma_wait3A_233 : memref<1x128x64xbf16, #tpu.memory_space<vmem>> -> memref<128x64xbf16, #tpu.memory_space<vmem>>
    %dma_wait3A_235 = arith.constant 0 : i32
    %dma_wait3A_236 = tpu.memref_slice %arg9[%dma_wait3A_230, %dma_wait3A_235] : memref<160x128xi32, #tpu.memory_space<vmem>> -> memref<1x128xi32, #tpu.memory_space<vmem>>
    %dma_wait3A_237 = tpu.memref_squeeze %dma_wait3A_236 : memref<1x128xi32, #tpu.memory_space<vmem>> -> memref<128xi32, #tpu.memory_space<vmem>>
    %dma_wait3A_238 = arith.constant 0 : i32
    %dma_wait3A_239 = arith.constant 0 : i32
    %dma_wait3A_240 = tpu.memref_slice %arg13[%dma_wait3A_238, %dma_wait3A_239] : memref<10240x64xbf16, #tpu.memory_space<vmem_shared>> -> memref<10240x64xbf16, #tpu.memory_space<vmem_shared>>
    tpu.wait_indirect_dma semaphore(%arg26 : memref<!tpu.dma_semaphore, #tpu.memory_space<semaphore_mem>>) src(%dma_wait3A_234 : memref<128x64xbf16, #tpu.memory_space<vmem>>) dst(%dma_wait3A_240 : memref<10240x64xbf16, #tpu.memory_space<vmem_shared>>)
    %convert_element_type3A_241 = arith.extui %eq3A_0 : i1 to i32
    %cond3A_242 = arith.constant 0 : i32
    %cond3A_243 = arith.cmpi ne, %convert_element_type3A_241, %cond3A_242 : i32
    scf.if %cond3A_243 {
      %dma_wait3A_315 = arith.constant 0 : i32
      %dma_wait3A_316 = arith.constant 0 : i32
      %dma_wait3A_317 = tpu.memref_slice %arg9[%dma_wait3A_315, %dma_wait3A_316] : memref<160x128xi32, #tpu.memory_space<vmem>> -> memref<1x128xi32, #tpu.memory_space<vmem>>
      %dma_wait3A_318 = tpu.memref_squeeze %dma_wait3A_317 : memref<1x128xi32, #tpu.memory_space<vmem>> -> memref<128xi32, #tpu.memory_space<vmem>>
      %dma_wait3A_319 = arith.constant 0 : i32
      %dma_wait3A_320 = tpu.memref_slice %arg14[%dma_wait3A_319] : memref<10240xf32, #tpu.memory_space<vmem_shared>> -> memref<10240xf32, #tpu.memory_space<vmem_shared>>
      tpu.wait_indirect_dma semaphore(%arg34 : memref<!tpu.dma_semaphore, #tpu.memory_space<semaphore_mem>>) src(%arg11 : memref<128xf32, #tpu.memory_space<vmem>>) dst(%dma_wait3A_320 : memref<10240xf32, #tpu.memory_space<vmem_shared>>)
    } else {
    }
    %dma_wait3A_244 = arith.constant 4 : i32
    %dma_wait3A_245 = arith.constant 0 : i32
    %dma_wait3A_246 = arith.constant 0 : i32
    %dma_wait3A_247 = arith.constant 0 : i32
    %dma_wait3A_248 = tpu.memref_slice %arg10[%dma_wait3A_244, %dma_wait3A_246, %dma_wait3A_247] : memref<8x128x64xbf16, #tpu.memory_space<vmem>> -> memref<1x128x64xbf16, #tpu.memory_space<vmem>>
    %dma_wait3A_249 = tpu.memref_squeeze %dma_wait3A_248 : memref<1x128x64xbf16, #tpu.memory_space<vmem>> -> memref<128x64xbf16, #tpu.memory_space<vmem>>
    %dma_wait3A_250 = arith.constant 0 : i32
    %dma_wait3A_251 = tpu.memref_slice %arg9[%dma_wait3A_245, %dma_wait3A_250] : memref<160x128xi32, #tpu.memory_space<vmem>> -> memref<1x128xi32, #tpu.memory_space<vmem>>
    %dma_wait3A_252 = tpu.memref_squeeze %dma_wait3A_251 : memref<1x128xi32, #tpu.memory_space<vmem>> -> memref<128xi32, #tpu.memory_space<vmem>>
    %dma_wait3A_253 = arith.constant 0 : i32
    %dma_wait3A_254 = arith.constant 0 : i32
    %dma_wait3A_255 = tpu.memref_slice %arg13[%dma_wait3A_253, %dma_wait3A_254] : memref<10240x64xbf16, #tpu.memory_space<vmem_shared>> -> memref<10240x64xbf16, #tpu.memory_space<vmem_shared>>
    tpu.wait_indirect_dma semaphore(%arg27 : memref<!tpu.dma_semaphore, #tpu.memory_space<semaphore_mem>>) src(%dma_wait3A_249 : memref<128x64xbf16, #tpu.memory_space<vmem>>) dst(%dma_wait3A_255 : memref<10240x64xbf16, #tpu.memory_space<vmem_shared>>)
    %convert_element_type3A_256 = arith.extui %eq3A_0 : i1 to i32
    %cond3A_257 = arith.constant 0 : i32
    %cond3A_258 = arith.cmpi ne, %convert_element_type3A_256, %cond3A_257 : i32
    scf.if %cond3A_258 {
      %dma_wait3A_315 = arith.constant 0 : i32
      %dma_wait3A_316 = arith.constant 0 : i32
      %dma_wait3A_317 = tpu.memref_slice %arg9[%dma_wait3A_315, %dma_wait3A_316] : memref<160x128xi32, #tpu.memory_space<vmem>> -> memref<1x128xi32, #tpu.memory_space<vmem>>
      %dma_wait3A_318 = tpu.memref_squeeze %dma_wait3A_317 : memref<1x128xi32, #tpu.memory_space<vmem>> -> memref<128xi32, #tpu.memory_space<vmem>>
      %dma_wait3A_319 = arith.constant 0 : i32
      %dma_wait3A_320 = tpu.memref_slice %arg14[%dma_wait3A_319] : memref<10240xf32, #tpu.memory_space<vmem_shared>> -> memref<10240xf32, #tpu.memory_space<vmem_shared>>
      tpu.wait_indirect_dma semaphore(%arg35 : memref<!tpu.dma_semaphore, #tpu.memory_space<semaphore_mem>>) src(%arg11 : memref<128xf32, #tpu.memory_space<vmem>>) dst(%dma_wait3A_320 : memref<10240xf32, #tpu.memory_space<vmem_shared>>)
    } else {
    }
    %dma_wait3A_259 = arith.constant 5 : i32
    %dma_wait3A_260 = arith.constant 0 : i32
    %dma_wait3A_261 = arith.constant 0 : i32
    %dma_wait3A_262 = arith.constant 0 : i32
    %dma_wait3A_263 = tpu.memref_slice %arg10[%dma_wait3A_259, %dma_wait3A_261, %dma_wait3A_262] : memref<8x128x64xbf16, #tpu.memory_space<vmem>> -> memref<1x128x64xbf16, #tpu.memory_space<vmem>>
    %dma_wait3A_264 = tpu.memref_squeeze %dma_wait3A_263 : memref<1x128x64xbf16, #tpu.memory_space<vmem>> -> memref<128x64xbf16, #tpu.memory_space<vmem>>
    %dma_wait3A_265 = arith.constant 0 : i32
    %dma_wait3A_266 = tpu.memref_slice %arg9[%dma_wait3A_260, %dma_wait3A_265] : memref<160x128xi32, #tpu.memory_space<vmem>> -> memref<1x128xi32, #tpu.memory_space<vmem>>
    %dma_wait3A_267 = tpu.memref_squeeze %dma_wait3A_266 : memref<1x128xi32, #tpu.memory_space<vmem>> -> memref<128xi32, #tpu.memory_space<vmem>>
    %dma_wait3A_268 = arith.constant 0 : i32
    %dma_wait3A_269 = arith.constant 0 : i32
    %dma_wait3A_270 = tpu.memref_slice %arg13[%dma_wait3A_268, %dma_wait3A_269] : memref<10240x64xbf16, #tpu.memory_space<vmem_shared>> -> memref<10240x64xbf16, #tpu.memory_space<vmem_shared>>
    tpu.wait_indirect_dma semaphore(%arg28 : memref<!tpu.dma_semaphore, #tpu.memory_space<semaphore_mem>>) src(%dma_wait3A_264 : memref<128x64xbf16, #tpu.memory_space<vmem>>) dst(%dma_wait3A_270 : memref<10240x64xbf16, #tpu.memory_space<vmem_shared>>)
    %convert_element_type3A_271 = arith.extui %eq3A_0 : i1 to i32
    %cond3A_272 = arith.constant 0 : i32
    %cond3A_273 = arith.cmpi ne, %convert_element_type3A_271, %cond3A_272 : i32
    scf.if %cond3A_273 {
      %dma_wait3A_315 = arith.constant 0 : i32
      %dma_wait3A_316 = arith.constant 0 : i32
      %dma_wait3A_317 = tpu.memref_slice %arg9[%dma_wait3A_315, %dma_wait3A_316] : memref<160x128xi32, #tpu.memory_space<vmem>> -> memref<1x128xi32, #tpu.memory_space<vmem>>
      %dma_wait3A_318 = tpu.memref_squeeze %dma_wait3A_317 : memref<1x128xi32, #tpu.memory_space<vmem>> -> memref<128xi32, #tpu.memory_space<vmem>>
      %dma_wait3A_319 = arith.constant 0 : i32
      %dma_wait3A_320 = tpu.memref_slice %arg14[%dma_wait3A_319] : memref<10240xf32, #tpu.memory_space<vmem_shared>> -> memref<10240xf32, #tpu.memory_space<vmem_shared>>
      tpu.wait_indirect_dma semaphore(%arg36 : memref<!tpu.dma_semaphore, #tpu.memory_space<semaphore_mem>>) src(%arg11 : memref<128xf32, #tpu.memory_space<vmem>>) dst(%dma_wait3A_320 : memref<10240xf32, #tpu.memory_space<vmem_shared>>)
    } else {
    }
    %dma_wait3A_274 = arith.constant 6 : i32
    %dma_wait3A_275 = arith.constant 0 : i32
    %dma_wait3A_276 = arith.constant 0 : i32
    %dma_wait3A_277 = arith.constant 0 : i32
    %dma_wait3A_278 = tpu.memref_slice %arg10[%dma_wait3A_274, %dma_wait3A_276, %dma_wait3A_277] : memref<8x128x64xbf16, #tpu.memory_space<vmem>> -> memref<1x128x64xbf16, #tpu.memory_space<vmem>>
    %dma_wait3A_279 = tpu.memref_squeeze %dma_wait3A_278 : memref<1x128x64xbf16, #tpu.memory_space<vmem>> -> memref<128x64xbf16, #tpu.memory_space<vmem>>
    %dma_wait3A_280 = arith.constant 0 : i32
    %dma_wait3A_281 = tpu.memref_slice %arg9[%dma_wait3A_275, %dma_wait3A_280] : memref<160x128xi32, #tpu.memory_space<vmem>> -> memref<1x128xi32, #tpu.memory_space<vmem>>
    %dma_wait3A_282 = tpu.memref_squeeze %dma_wait3A_281 : memref<1x128xi32, #tpu.memory_space<vmem>> -> memref<128xi32, #tpu.memory_space<vmem>>
    %dma_wait3A_283 = arith.constant 0 : i32
    %dma_wait3A_284 = arith.constant 0 : i32
    %dma_wait3A_285 = tpu.memref_slice %arg13[%dma_wait3A_283, %dma_wait3A_284] : memref<10240x64xbf16, #tpu.memory_space<vmem_shared>> -> memref<10240x64xbf16, #tpu.memory_space<vmem_shared>>
    tpu.wait_indirect_dma semaphore(%arg29 : memref<!tpu.dma_semaphore, #tpu.memory_space<semaphore_mem>>) src(%dma_wait3A_279 : memref<128x64xbf16, #tpu.memory_space<vmem>>) dst(%dma_wait3A_285 : memref<10240x64xbf16, #tpu.memory_space<vmem_shared>>)
    %convert_element_type3A_286 = arith.extui %eq3A_0 : i1 to i32
    %cond3A_287 = arith.constant 0 : i32
    %cond3A_288 = arith.cmpi ne, %convert_element_type3A_286, %cond3A_287 : i32
    scf.if %cond3A_288 {
      %dma_wait3A_315 = arith.constant 0 : i32
      %dma_wait3A_316 = arith.constant 0 : i32
      %dma_wait3A_317 = tpu.memref_slice %arg9[%dma_wait3A_315, %dma_wait3A_316] : memref<160x128xi32, #tpu.memory_space<vmem>> -> memref<1x128xi32, #tpu.memory_space<vmem>>
      %dma_wait3A_318 = tpu.memref_squeeze %dma_wait3A_317 : memref<1x128xi32, #tpu.memory_space<vmem>> -> memref<128xi32, #tpu.memory_space<vmem>>
      %dma_wait3A_319 = arith.constant 0 : i32
      %dma_wait3A_320 = tpu.memref_slice %arg14[%dma_wait3A_319] : memref<10240xf32, #tpu.memory_space<vmem_shared>> -> memref<10240xf32, #tpu.memory_space<vmem_shared>>
      tpu.wait_indirect_dma semaphore(%arg37 : memref<!tpu.dma_semaphore, #tpu.memory_space<semaphore_mem>>) src(%arg11 : memref<128xf32, #tpu.memory_space<vmem>>) dst(%dma_wait3A_320 : memref<10240xf32, #tpu.memory_space<vmem_shared>>)
    } else {
    }
    %dma_wait3A_289 = arith.constant 7 : i32
    %dma_wait3A_290 = arith.constant 0 : i32
    %dma_wait3A_291 = arith.constant 0 : i32
    %dma_wait3A_292 = arith.constant 0 : i32
    %dma_wait3A_293 = tpu.memref_slice %arg10[%dma_wait3A_289, %dma_wait3A_291, %dma_wait3A_292] : memref<8x128x64xbf16, #tpu.memory_space<vmem>> -> memref<1x128x64xbf16, #tpu.memory_space<vmem>>
    %dma_wait3A_294 = tpu.memref_squeeze %dma_wait3A_293 : memref<1x128x64xbf16, #tpu.memory_space<vmem>> -> memref<128x64xbf16, #tpu.memory_space<vmem>>
    %dma_wait3A_295 = arith.constant 0 : i32
    %dma_wait3A_296 = tpu.memref_slice %arg9[%dma_wait3A_290, %dma_wait3A_295] : memref<160x128xi32, #tpu.memory_space<vmem>> -> memref<1x128xi32, #tpu.memory_space<vmem>>
    %dma_wait3A_297 = tpu.memref_squeeze %dma_wait3A_296 : memref<1x128xi32, #tpu.memory_space<vmem>> -> memref<128xi32, #tpu.memory_space<vmem>>
    %dma_wait3A_298 = arith.constant 0 : i32
    %dma_wait3A_299 = arith.constant 0 : i32
    %dma_wait3A_300 = tpu.memref_slice %arg13[%dma_wait3A_298, %dma_wait3A_299] : memref<10240x64xbf16, #tpu.memory_space<vmem_shared>> -> memref<10240x64xbf16, #tpu.memory_space<vmem_shared>>
    tpu.wait_indirect_dma semaphore(%arg30 : memref<!tpu.dma_semaphore, #tpu.memory_space<semaphore_mem>>) src(%dma_wait3A_294 : memref<128x64xbf16, #tpu.memory_space<vmem>>) dst(%dma_wait3A_300 : memref<10240x64xbf16, #tpu.memory_space<vmem_shared>>)
    %convert_element_type3A_301 = arith.extui %eq3A_0 : i1 to i32
    %cond3A_302 = arith.constant 0 : i32
    %cond3A_303 = arith.cmpi ne, %convert_element_type3A_301, %cond3A_302 : i32
    scf.if %cond3A_303 {
      %dma_wait3A_315 = arith.constant 0 : i32
      %dma_wait3A_316 = arith.constant 0 : i32
      %dma_wait3A_317 = tpu.memref_slice %arg9[%dma_wait3A_315, %dma_wait3A_316] : memref<160x128xi32, #tpu.memory_space<vmem>> -> memref<1x128xi32, #tpu.memory_space<vmem>>
      %dma_wait3A_318 = tpu.memref_squeeze %dma_wait3A_317 : memref<1x128xi32, #tpu.memory_space<vmem>> -> memref<128xi32, #tpu.memory_space<vmem>>
      %dma_wait3A_319 = arith.constant 0 : i32
      %dma_wait3A_320 = tpu.memref_slice %arg14[%dma_wait3A_319] : memref<10240xf32, #tpu.memory_space<vmem_shared>> -> memref<10240xf32, #tpu.memory_space<vmem_shared>>
      tpu.wait_indirect_dma semaphore(%arg38 : memref<!tpu.dma_semaphore, #tpu.memory_space<semaphore_mem>>) src(%arg11 : memref<128xf32, #tpu.memory_space<vmem>>) dst(%dma_wait3A_320 : memref<10240xf32, #tpu.memory_space<vmem_shared>>)
    } else {
    }
    %barrier3A_304 = arith.constant 0 : index
    tpu.barrier barrier_id(%barrier3A_304)
    %mul3A_305 = arith.constant 640 : i32
    %mul3A_306 = arith.muli %arg1, %mul3A_305 : i32
    %mul3A_307 = arith.constant 10240 : i32
    %mul3A_308 = arith.muli %arg0, %mul3A_307 : i32
    %mul3A_309 = arith.constant 640 : i32
    %mul3A_310 = arith.muli %arg1, %mul3A_309 : i32
    %add3A_311 = arith.addi %mul3A_308, %mul3A_310 : i32
    "tpu.region"() ({
      %run_scoped3A_315 = tpu.sem_alloc : memref<!tpu.dma_semaphore, #tpu.memory_space<semaphore_mem>>
      %dma_start3A_316 = arith.constant 0 : i32
      %dma_start3A_317 = tpu.memref_slice %arg6[%add3A_311, %dma_start3A_316] : memref<20480x64xbf16, #tpu.memory_space<hbm>> -> memref<640x64xbf16, #tpu.memory_space<hbm>>
      %dma_start3A_318 = arith.constant 0 : i32
      %dma_start3A_319 = tpu.memref_slice %arg13[%mul3A_306, %dma_start3A_318] : memref<10240x64xbf16, #tpu.memory_space<vmem_shared>> -> memref<640x64xbf16, #tpu.memory_space<vmem_shared>>
      tpu.enqueue_dma source(%dma_start3A_319 : memref<640x64xbf16, #tpu.memory_space<vmem_shared>>) target(%dma_start3A_317 : memref<640x64xbf16, #tpu.memory_space<hbm>>) target_semaphore(%run_scoped3A_315 : memref<!tpu.dma_semaphore, #tpu.memory_space<semaphore_mem>>)
      %dma_wait3A_320 = arith.constant 0 : i32
      %dma_wait3A_321 = tpu.memref_slice %arg6[%add3A_311, %dma_wait3A_320] : memref<20480x64xbf16, #tpu.memory_space<hbm>> -> memref<640x64xbf16, #tpu.memory_space<hbm>>
      %dma_wait3A_322 = arith.constant 0 : i32
      %dma_wait3A_323 = tpu.memref_slice %arg13[%mul3A_306, %dma_wait3A_322] : memref<10240x64xbf16, #tpu.memory_space<vmem_shared>> -> memref<640x64xbf16, #tpu.memory_space<vmem_shared>>
      tpu.wait_dma2 semaphore(%run_scoped3A_315 : memref<!tpu.dma_semaphore, #tpu.memory_space<semaphore_mem>>) src(%dma_wait3A_323 : memref<640x64xbf16, #tpu.memory_space<vmem_shared>>) dst(%dma_wait3A_321 : memref<640x64xbf16, #tpu.memory_space<hbm>>)
      tpu.yield
    }) : () -> ()
    %convert_element_type3A_312 = arith.extui %eq3A_0 : i1 to i32
    %cond3A_313 = arith.constant 0 : i32
    %cond3A_314 = arith.cmpi ne, %convert_element_type3A_312, %cond3A_313 : i32
    scf.if %cond3A_314 {
      %mul3A_315 = arith.constant 640 : i32
      %mul3A_316 = arith.muli %arg1, %mul3A_315 : i32
      %mul3A_317 = arith.constant 640 : i32
      %mul3A_318 = arith.muli %arg1, %mul3A_317 : i32
      "tpu.region"() ({
        %run_scoped3A_319 = tpu.sem_alloc : memref<!tpu.dma_semaphore, #tpu.memory_space<semaphore_mem>>
        %dma_start3A_320 = tpu.memref_slice %arg7[%mul3A_318] : memref<10240xf32, #tpu.memory_space<hbm>> -> memref<640xf32, #tpu.memory_space<hbm>>
        %dma_start3A_321 = tpu.memref_slice %arg14[%mul3A_316] : memref<10240xf32, #tpu.memory_space<vmem_shared>> -> memref<640xf32, #tpu.memory_space<vmem_shared>>
        tpu.enqueue_dma source(%dma_start3A_321 : memref<640xf32, #tpu.memory_space<vmem_shared>>) target(%dma_start3A_320 : memref<640xf32, #tpu.memory_space<hbm>>) target_semaphore(%run_scoped3A_319 : memref<!tpu.dma_semaphore, #tpu.memory_space<semaphore_mem>>)
        %dma_wait3A_322 = tpu.memref_slice %arg7[%mul3A_318] : memref<10240xf32, #tpu.memory_space<hbm>> -> memref<640xf32, #tpu.memory_space<hbm>>
        %dma_wait3A_323 = tpu.memref_slice %arg14[%mul3A_316] : memref<10240xf32, #tpu.memory_space<vmem_shared>> -> memref<640xf32, #tpu.memory_space<vmem_shared>>
        tpu.wait_dma2 semaphore(%run_scoped3A_319 : memref<!tpu.dma_semaphore, #tpu.memory_space<semaphore_mem>>) src(%dma_wait3A_323 : memref<640xf32, #tpu.memory_space<vmem_shared>>) dst(%dma_wait3A_322 : memref<640xf32, #tpu.memory_space<hbm>>)
        tpu.yield
      }) : () -> ()
    } else {
    }
    return
  }
}

module attributes {stable_mosaic.version = 14 : i64} {
  func.func @body(%arg0: i32, %arg1: memref<2048x64xbf16, #tpu.memory_space<vmem>>, %arg2: memref<2048x64xbf16, #tpu.memory_space<vmem>>, %arg3: memref<1x2048xf32, #tpu.memory_space<vmem>>, %arg4: memref<2048x128xf32, #tpu.memory_space<vmem>>, %arg5: memref<128x128xf32, #tpu.memory_space<vmem>>, %arg6: memref<128x128xf32, #tpu.memory_space<vmem>>, %arg7: memref<1x128xf32, #tpu.memory_space<vmem>>, %arg8: memref<1x128xf32, #tpu.memory_space<vmem>>, %arg9: memref<2048x128xf32, #tpu.memory_space<vmem>>) attributes {dimension_semantics = [#tpu.dimension_semantics<arbitrary>], iteration_bounds = array<i64: 5>, scalar_prefetch = 0 : i64, scratch_operands = 0 : i64, tpu.core_type = #tpu.core_type<tc>, window_params = [{transform_indices = @transform_0, window_bounds = array<i64: 2048, 64>}, {transform_indices = @transform_1, window_bounds = array<i64: 2048, 64>}, {transform_indices = @transform_2, window_bounds = array<i64: 1, 2048>}, {transform_indices = @transform_3, window_bounds = array<i64: 2048, 128>}, {pipeline_mode = #tpu.pipeline_mode<synchronous>, transform_indices = @transform_4, window_bounds = array<i64: 128, 128>}, {pipeline_mode = #tpu.pipeline_mode<synchronous>, transform_indices = @transform_5, window_bounds = array<i64: 128, 128>}, {pipeline_mode = #tpu.pipeline_mode<synchronous>, transform_indices = @transform_6, window_bounds = array<i64: 1, 128>}, {pipeline_mode = #tpu.pipeline_mode<synchronous>, transform_indices = @transform_7, window_bounds = array<i64: 1, 128>}, {transform_indices = @transform_8, window_bounds = array<i64: 2048, 128>}]} {
    %get3A = arith.constant 0 : index
    %get3A_0 = arith.constant 0 : index
    %get3A_1 = vector.load %arg3[%get3A, %get3A_0] : memref<1x2048xf32, #tpu.memory_space<vmem>>, vector<1x2048xf32>
    %get3A_2 = vector.shape_cast %get3A_1 : vector<1x2048xf32> to vector<2048xf32>
    %max3A = arith.constant 1.000000e+00 : f32
    %max3A_3 = vector.broadcast %max3A : f32 to vector<2048xf32>
    %max3A_4 = arith.maximumf %get3A_2, %max3A_3 : vector<2048xf32>
    %div3A = arith.constant 1.000000e+00 : f32
    %div3A_5 = vector.broadcast %div3A : f32 to vector<2048xf32>
    %div3A_6 = arith.divf %div3A_5, %max3A_4 : vector<2048xf32>
    %get3A_7 = arith.constant 0 : index
    %get3A_8 = arith.constant 0 : index
    %get3A_9 = vector.load %arg1[%get3A_7, %get3A_8] : memref<2048x64xbf16, #tpu.memory_space<vmem>>, vector<2048x64xbf16>
    %get3A_10 = arith.constant 0 : index
    %get3A_11 = arith.constant 0 : index
    %get3A_12 = vector.load %arg2[%get3A_10, %get3A_11] : memref<2048x64xbf16, #tpu.memory_space<vmem>>, vector<2048x64xbf16>
    %concatenate3A = tpu.concatenate %get3A_9, %get3A_12 in 1 : vector<2048x64xbf16>, vector<2048x64xbf16> -> vector<2048x128xbf16>
    %convert_element_type3A = arith.extf %concatenate3A : vector<2048x128xbf16> to vector<2048x128xf32>
    %broadcast_in_dim3A = vector.shape_cast %div3A_6 : vector<2048xf32> to vector<2048x1xf32>
    %mul3A = vector.broadcast %broadcast_in_dim3A : vector<2048x1xf32> to vector<2048x128xf32>
    %mul3A_13 = arith.mulf %convert_element_type3A, %mul3A : vector<2048x128xf32>
    %get3A_14 = arith.constant 0 : index
    %get3A_15 = arith.constant 0 : index
    %get3A_16 = vector.load %arg5[%get3A_14, %get3A_15] : memref<128x128xf32, #tpu.memory_space<vmem>>, vector<128x128xf32>
    %dot_general3A = arith.constant dense<0.000000e+00> : vector<2048x128xf32>
    %dot_general3A_17 = tpu.matmul %mul3A_13, %get3A_16, %dot_general3A {dimension_numbers = #tpu.dot_dimension_numbers<[1], [1], [0], [0], [0, 0, 1, 0], [], []>, transpose_lhs_hint = false} : vector<2048x128xf32>, vector<128x128xf32>, vector<2048x128xf32> -> vector<2048x128xf32>
    %get3A_18 = arith.constant 0 : index
    %get3A_19 = arith.constant 0 : index
    %get3A_20 = vector.load %arg4[%get3A_18, %get3A_19] : memref<2048x128xf32, #tpu.memory_space<vmem>>, vector<2048x128xf32>
    %get3A_21 = arith.constant 0 : index
    %get3A_22 = arith.constant 0 : index
    %get3A_23 = vector.load %arg6[%get3A_21, %get3A_22] : memref<128x128xf32, #tpu.memory_space<vmem>>, vector<128x128xf32>
    %dot_general3A_24 = arith.constant dense<0.000000e+00> : vector<2048x128xf32>
    %dot_general3A_25 = tpu.matmul %get3A_20, %get3A_23, %dot_general3A_24 {dimension_numbers = #tpu.dot_dimension_numbers<[1], [1], [0], [0], [0, 0, 1, 0], [], []>, transpose_lhs_hint = false} : vector<2048x128xf32>, vector<128x128xf32>, vector<2048x128xf32> -> vector<2048x128xf32>
    %add3A = arith.addf %dot_general3A_17, %dot_general3A_25 : vector<2048x128xf32>
    %get3A_26 = arith.constant 0 : index
    %get3A_27 = arith.constant 0 : index
    %get3A_28 = vector.load %arg7[%get3A_26, %get3A_27] : memref<1x128xf32, #tpu.memory_space<vmem>>, vector<1x128xf32>
    %add3A_29 = vector.broadcast %get3A_28 : vector<1x128xf32> to vector<2048x128xf32>
    %add3A_30 = arith.addf %add3A, %add3A_29 : vector<2048x128xf32>
    %get3A_31 = arith.constant 0 : index
    %get3A_32 = arith.constant 0 : index
    %get3A_33 = vector.load %arg8[%get3A_31, %get3A_32] : memref<1x128xf32, #tpu.memory_space<vmem>>, vector<1x128xf32>
    %add3A_34 = vector.broadcast %get3A_33 : vector<1x128xf32> to vector<2048x128xf32>
    %add3A_35 = arith.addf %add3A_30, %add3A_34 : vector<2048x128xf32>
    %swap3A = arith.constant 0 : index
    %swap3A_36 = arith.constant 0 : index
    %swap3A_37 = vector.load %arg9[%swap3A, %swap3A_36] : memref<2048x128xf32, #tpu.memory_space<vmem>>, vector<2048x128xf32>
    tpu.vector_store %arg9[%swap3A, %swap3A_36], %add3A_35 {strides = array<i32>} : memref<2048x128xf32, #tpu.memory_space<vmem>>, vector<2048x128xf32>,
    return
  }
  func.func @transform_0(%arg0: i32) -> (i32, i32) {
    %c0_i32 = arith.constant 0 : i32
    %c0_i32_0 = arith.constant 0 : i32
    return %arg0, %c0_i32 : i32, i32
  }
  func.func @transform_1(%arg0: i32) -> (i32, i32) {
    %add3A = arith.constant 5 : i32
    %add3A_0 = arith.addi %arg0, %add3A : i32
    %c0_i32 = arith.constant 0 : i32
    %c0_i32_1 = arith.constant 0 : i32
    return %add3A_0, %c0_i32 : i32, i32
  }
  func.func @transform_2(%arg0: i32) -> (i32, i32) {
    %c0_i32 = arith.constant 0 : i32
    %c0_i32_0 = arith.constant 0 : i32
    return %c0_i32, %arg0 : i32, i32
  }
  func.func @transform_3(%arg0: i32) -> (i32, i32) {
    %c0_i32 = arith.constant 0 : i32
    %c0_i32_0 = arith.constant 0 : i32
    return %arg0, %c0_i32 : i32, i32
  }
  func.func @transform_4(%arg0: i32) -> (i32, i32) {
    %c0_i32 = arith.constant 0 : i32
    %c0_i32_0 = arith.constant 0 : i32
    %c0_i32_1 = arith.constant 0 : i32
    return %c0_i32, %c0_i32_0 : i32, i32
  }
  func.func @transform_5(%arg0: i32) -> (i32, i32) {
    %c0_i32 = arith.constant 0 : i32
    %c0_i32_0 = arith.constant 0 : i32
    %c0_i32_1 = arith.constant 0 : i32
    return %c0_i32, %c0_i32_0 : i32, i32
  }
  func.func @transform_6(%arg0: i32) -> (i32, i32) {
    %c0_i32 = arith.constant 0 : i32
    %c0_i32_0 = arith.constant 0 : i32
    %c0_i32_1 = arith.constant 0 : i32
    return %c0_i32, %c0_i32_0 : i32, i32
  }
  func.func @transform_7(%arg0: i32) -> (i32, i32) {
    %c0_i32 = arith.constant 0 : i32
    %c0_i32_0 = arith.constant 0 : i32
    %c0_i32_1 = arith.constant 0 : i32
    return %c0_i32, %c0_i32_0 : i32, i32
  }
  func.func @transform_8(%arg0: i32) -> (i32, i32) {
    %c0_i32 = arith.constant 0 : i32
    %c0_i32_0 = arith.constant 0 : i32
    return %arg0, %c0_i32 : i32, i32
  }
}

</mosaic_0001>

<sc_bundles>
// kernel: kernel.4.cloned.1.call-start
scs
__scs_entry_jumppad:
0x0: {  	(pc) =	sbr.rel $0x88, $3  }
0x1: {  	(tag) =	ssettag $0x0;
	lr =	simm.s32 $0x1  }
0x2: {  	[smem:$0x3F9B] =	sst lr;
	_ =	strace $0xD0000000  }
0x3: {  	_ = 	snop  }
0x4: {  	_ = 	snop  }
0x5: {  	_ = 	snop  }
0x6: {  	_ = 	snop  }
0x7: {  	_ = 	snop  }
__scs_overlays_trampoline_lowered:
0x8: {  	[smem:$0x3FAA] =	sst s0  }
0x9: {  	[smem:$0x3FAB] =	sst s1  }
0xa: {  	[smem:$0x3FAC] =	sst s2  }
0xb: {  	[smem:$0x3FAD] =	sst s3  }
0xc: {  	[smem:$0x3FAE] =	sst s4  }
0xd: {  	[smem:$0x3FAF] =	sst s5  }
0xe: {  	[smem:$0x3FB0] =	sst s6  }
0xf: {  	[smem:$0x3FB1] =	sst s7  }
0x10: {  	[smem:$0x3FB2] =	sst s8  }
0x11: {  	[smem:$0x3FB3] =	sst s9;
	s0 =	simm.s32 @!p0 $0x0  }
0x12: {  	s1 =	sld [smem:$0x3F99];
	s0 =	simm.s32 @p0 $0x1  }
0x13: {  	[smem:$0x3FB4] =	sst s0;
	s0 =	simm.s32 @!p1 $0x0  }
0x14: {  	s2 =	sld [smem:$0x3F98];
	s0 =	simm.s32 @p1 $0x1  }
0x15: {  	[smem:$0x3FB5] =	sst s0;
	s0 =	simm.s32 @!p2 $0x0  }
0x16: {  	s3 =	sld [smem:$0x3FDB];
	s0 =	simm.s32 @p2 $0x1  }
0x17: {  	s4 =	simm.s32 $0x1BF5;
	[smem:$0x3FB7] =	sst s0  }
0x18: {  	s0 =	sld [smem:$0x3F9A];
	_ =	swait.ge [sflag:s4], $0x0  }
0x19: {  	s7 =	sld [smem:$0x3F9B]  }
0x1a: {  	s8 =	sadd.s32 $0xFFFFE003, lr  }
0x1b: {  	s9 =	sadd.s32 $0xFFFFFEF7, lr;
	s5 =	simm.s32 $0xFFFFFFFF;
	p2 =	slt.u32 s8, $0xFFFFF086  }
0x1c: {  	p1 =	slt.u32 s9, $0xF7A;
	s5 =	simm.s32 @!p2 $0x0  }
0x1d: {  	s5 =	simm.s32 @p1 $0x1;
	p0 =	seq.s32 s7, s2  }
0x1e: {  	s7 =	smul.u32 @!p0 $0xF7A, s2;
	p2 =	seq.s32 @!p0 s5, $0x0  }
0x1f: {  	s9 =	smul.u32 $0xF7A, s1;
	s8 =	simm.s32 @!p0 $0x1BF5;
	p2 =	por !p2, p0  }
0x20: {  	[sflag:s8] =	ssyncset.s32 @!p0 $0xFFFFF086;
	s6 =	sadd.s32 @!p0 s3, s7;
	s7 =	simm.s32 @!p0 $0x108  }
0x21: {  	s3 =	sadd.s32 s3, s9;
	s6 =	sadd.s32 @!p0 $0x88, s6;
	s7 =	simm.s32 @p2 $0x1082  }
0x22: {  	[simem:s7], [sflag:s8] =	dma.local @!p0 [hbm:s6], $0xF7A  }
0x23: {  	s9 =	sor.u32 $0xD0000000, s2;
	s6 =	simm.s32 $0x108;
	_ =	swait.ge @!p0 [sflag:s8], $0x0  }
0x24: {  	s3 =	sadd.s32 $0x88, s3;
	s6 =	simm.s32 @!p1 $0x1082;
	[sflag:s4] =	ssyncset.s32 $0xFFFFF086  }
0x25: {  	[simem:s6], [sflag:s4] =	dma.local [hbm:s3], $0xF7A  }
0x26: {  	[smem:$0x3F9B] =	sst s1;
	(tag) =	ssettag s2;
	_ =	strace s9  }
0x27: {  	s1 =	sld [smem:$0x3FAB]  }
0x28: {  	s2 =	sld [smem:$0x3FAC]  }
0x29: {  	s4 =	sld [smem:$0x3FAE]  }
0x2a: {  	p0 =	seq.s32 s5, $0x0;
	s5 =	sld [smem:$0x3FAF]  }
0x2b: {  	s6 =	sld [smem:$0x3FB0]  }
0x2c: {  	s7 =	sld [smem:$0x3FB1]  }
0x2d: {  	s3 =	simm.s32 $0x108;
	s8 =	sld [smem:$0x3FB2]  }
0x2e: {  	s3 =	simm.s32 @!p0 $0x1082;
	s9 =	sld [smem:$0x3FB3]  }
0x2f: {  	lr =	sadd.s32 s0, s3;
	s0 =	sld [smem:$0x3FAA]  }
0x30: {  	s3 =	sld [smem:$0x3FAD]  }
0x31: {  	[smem:$0x3FB6] =	sst s10  }
0x32: {  	s10 =	sld [smem:$0x3FB4];
	_ =	sdelay $0x3  }
0x33: {  	p0 =	seq.s32 s10, $0x1;
	s10 =	sld [smem:$0x3FB6];
	_ =	sdelay $0x3  }
0x34: {  	[smem:$0x3FB6] =	sst s10  }
0x35: {  	s10 =	sld [smem:$0x3FB5];
	_ =	sdelay $0x3  }
0x36: {  	p1 =	seq.s32 s10, $0x1;
	s10 =	sld [smem:$0x3FB6];
	_ =	sdelay $0x3  }
0x37: {  	[smem:$0x3FB6] =	sst s10  }
0x38: {  	s10 =	sld [smem:$0x3FB7]  }
0x39: {  	_ = 	snop;
	(pc) =	sbr.ind lr, $3  }
0x3a: {  	_ = 	snop  }
0x3b: {  	_ = 	snop  }
0x3c: {  	p2 =	seq.s32 s10, $0x1;
	s10 =	sld [smem:$0x3FB6]  }
0x3d: {  	_ =	shalt  }
0x3e: {  	_ =	shalt  }
0x3f: {  	_ =	shalt  }
0x40: {  	_ =	shalt  }
0x41: {  	_ =	shalt  }
0x42: {  	_ =	shalt  }
0x43: {  	_ =	shalt  }
0x44: {  	_ =	shalt  }
0x45: {  	_ =	shalt  }
0x46: {  	_ =	shalt  }
0x47: {  	_ =	shalt  }
0x48: {  	_ =	shalt  }
0x49: {  	_ =	shalt  }
0x4a: {  	_ =	shalt  }
0x4b: {  	_ =	shalt  }
0x4c: {  	_ =	shalt  }
0x4d: {  	_ =	shalt  }
0x4e: {  	_ =	shalt  }
0x4f: {  	_ =	shalt  }
0x50: {  	_ =	shalt  }
0x51: {  	_ =	shalt  }
0x52: {  	_ =	shalt  }
0x53: {  	_ =	shalt  }
0x54: {  	_ =	shalt  }
0x55: {  	_ =	shalt  }
0x56: {  	_ =	shalt  }
0x57: {  	_ =	shalt  }
0x58: {  	_ =	shalt  }
0x59: {  	_ =	shalt  }
0x5a: {  	_ =	shalt  }
0x5b: {  	_ =	shalt  }
0x5c: {  	_ =	shalt  }
0x5d: {  	_ =	shalt  }
0x5e: {  	_ =	shalt  }
0x5f: {  	_ =	shalt  }
0x60: {  	_ =	shalt  }
0x61: {  	_ =	shalt  }
0x62: {  	_ =	shalt  }
0x63: {  	_ =	shalt  }
0x64: {  	_ =	shalt  }
0x65: {  	_ =	shalt  }
0x66: {  	_ =	shalt  }
0x67: {  	_ =	shalt  }
0x68: {  	_ =	shalt  }
0x69: {  	_ =	shalt  }
0x6a: {  	_ =	shalt  }
0x6b: {  	_ =	shalt  }
0x6c: {  	_ =	shalt  }
0x6d: {  	_ =	shalt  }
0x6e: {  	_ =	shalt  }
0x6f: {  	_ =	shalt  }
0x70: {  	_ =	shalt  }
0x71: {  	_ =	shalt  }
0x72: {  	_ =	shalt  }
0x73: {  	_ =	shalt  }
0x74: {  	_ =	shalt  }
0x75: {  	_ =	shalt  }
0x76: {  	_ =	shalt  }
0x77: {  	_ =	shalt  }
0x78: {  	_ =	shalt  }
0x79: {  	_ =	shalt  }
0x7a: {  	_ =	shalt  }
0x7b: {  	_ =	shalt  }
0x7c: {  	_ =	shalt  }
0x7d: {  	_ =	shalt  }
0x7e: {  	_ =	shalt  }
0x7f: {  	_ =	shalt  }
0x80: {  	_ =	shalt  }
0x81: {  	_ =	shalt  }
0x82: {  	_ =	shalt  }
0x83: {  	_ =	shalt  }
0x84: {  	_ =	shalt  }
0x85: {  	_ =	shalt  }
0x86: {  	_ =	shalt  }
0x87: {  	_ =	shalt  }
.Lfunc_end0:
.L_simem_size_0:
called_computation_lowered:
.L_overlay_start_0:
0x88: {  	s2 =	sld [smem:$0x3FD9]  }
0x89: {  	s3 =	sld [smem:$0x3FFE];
	_ =	sdelay $0x1  }
0x8a: {  	s1 =	srdreg.scid  }
0x8b: {  	s0 =	sand.u32 $0x1, s1  }
0x8c: {  	s17 =	sshll.u32 s0, $0xA;
	s2 =	sadd.s32 s3, s2  }
0x8d: {  	s2 =	sadd.s32 s2, s17  }
0x8e: {  	[smem:$0x3FC2] =	sst s2  }
0x8f: {  	_ = 	snop  }
0x90: {  	s2 =	sld [smem:$0x3FD0];
	(tm) =	ssettm $0x1  }
0x91: {  	s18 =	sld [smem:$0x3FFB];
	_ =	sdelay $0x3  }
0x92: {  	_ =	strace s18  }
0x93: {  	s3 =	sld [smem:$0x3FFC];
	_ =	sdelay $0x3  }
0x94: {  	_ =	strace s3  }
0x95: {  	s3 =	sld [smem:$0x3FFD];
	_ =	sdelay $0x3  }
0x96: {  	_ =	strace s3  }
0x97: {  	_ =	strace $0x8FFFFFFF  }
0x98: {  	s19 =	sld [smem:$0x3FDB];
	_ =	sdelay $0x1  }
0x99: {  	s4 =	simm.s32 $_scs_section_size  }
0x9a: {  	s5 =	simm.s32 $_size__tile_overlayer_lowered;
	s6 =	simm.s32 $_tile_overlayer_lowered  }
0x9b: {  	s22 =	simm.s32 $0x1BFF;
	s21 =	sshll.u32 s6, $0x1;
	s3 =	sadd.s32 s4, s19  }
0x9c: {  	s7 =	simm.s32 $0x0;
	s20 =	sshll.u32 s5, $0x1;
	s5 =	sadd.s32 s21, s3  }
0x9d: {  	[timem:s7], [sflag:s22] =	dma.local [hbm:s5], s20  }
0x9e: {  	_ =	swait.ge [sflag:s22], s20  }
0x9f: {  	s4 =	ssub.s32 $0x0, s20;
	[sflag:s22] =	ssyncset.done $0x0  }
0xa0: {  	[sflag:s22] =	ssyncadd.s32 s4;
	_ =	sdelay $0x1  }
0xa1: {  	s23 =	simm.s32 $0x1B8B  }
0xa2: {  	_ =	swait.ge [sflag:s23], $0x1  }
0xa3: {  	[sflag:s23] =	ssyncset.done $0x0  }
0xa4: {  	s25 =	simm.s32 $0x1B8E;
	s24 =	sld [smem:$0x3FFE];
	[sflag:s23] =	ssyncadd.s32 $0xFFFFFFFF  }
0xa5: {  	s26 =	simm.s32 $execute0_lowered;
	[smem:$0x3FD2] =	sst s25  }
0xa6: {  	s5 =	sshll.u32 s26, $0x1;
	_ =	strace $0x80000046;
	[dreg:$0x1] =	wrdreg $0xFFFFFFFF  }
0xa7: {  	s28 =	simm.s32 $_size_execute0_lowered;
	s3 =	sadd.s32 s3, s5;
	[dreg:$0x0] =	wrdreg $0x0  }
0xa8: {  	s5 =	sshll.u32 s28, $0x1;
	[dreg:$0x2] =	wrdreg s3  }
0xa9: {  	[dreg:$0x3] =	wrdreg s5  }
0xaa: {  	[dreg:$0x4] =	wrdreg $0xC0  }
0xab: {  	_ =	task [dreg:s7], $0x5FFFF  }
0xac: {  	[dreg:$0x1] =	wrdreg $0xFFFFFFFF  }
0xad: {  	[dreg:$0x0] =	wrdreg $0x60  }
0xae: {  	[dreg:$0x2] =	wrdreg s24  }
0xaf: {  	[dreg:$0x3] =	wrdreg s2  }
0xb0: {  	[dreg:$0x4] =	wrdreg $0x121000  }
0xb1: {  	[dreg:$0x5] =	wrdreg $0x171000  }
0xb2: {  	[dreg:$0x6] =	wrdreg $0x9  }
0xb3: {  	_ =	task.clear_ibuf [dreg:s7], $0x7FFFF;
	_ =	strace $0x90000046  }
0xb4: {  	s29 =	simm.s32 $0x9;
	_ =	strace $0x80000048  }
0xb5: {  	_ =	swait.ge [sflag:s29], $0x1  }
0xb6: {  	[sflag:s29] =	ssyncadd.s32 $0xFFFFFFFF  }
0xb7: {  	_ =	strace $0x90000048  }
0xb8: {  	_ =	sfence  }
0xb9: {  	s30 =	sld [smem:$0x0];
	_ =	sdelay $0x2  }
0xba: {  	s31 =	sshll.u32 s1, $0xD;
	s1 =	sshrl.u32 s1, $0x2  }
0xbb: {  	s3 =	sand.u32 $0x4000, s31;
	s1 =	sadd.s32 s1, s30  }
0xbc: {  	s0 =	sor.u32 s3, s0;
	s1 =	sshll.u32 s1, $0x11  }
0xbd: {  	s0 =	sor.u32 s1, s0  }
0xbe: {  	s0 =	sadd.s32 $0x8F2B, s0  }
0xbf: {  	[sflag:s0] =	ssyncadd.remote.s32 $0x1  }
0xc0: {  	_ =	sfence.sel $0xFFFF  }
0xc1: {  	[dreg:$0x0] =	wrdreg $0xFFFFFFFF;
	(pc) =	sbr.abs _section_cstart, $3  }
0xc2: {  	[dreg:$0x1] =	wrdreg $0xFFFFFFFF  }
0xc3: {  	_ =	task.clear_ibuf [dreg:s7], $0x2FFFF;
	_ =	strace $0x9FFFFFFF  }
0xc4: {  	(tm) =	ssettm $0x7FFFFFFF  }
0xc5: {  	_ =	shalt  }
tec
execute0_lowered:
.L_overlay_start_1:
0x0: {  	(tag) =	ssettag $0x1  }
0x1: {  	s0 =	rddreg [dreg:$0x0]  }
0x2: {  	s3 =	rddreg [dreg:$0x1]  }
0x3: {  	s1 =	rddreg [dreg:$0x2]  }
0x4: {  	s2 =	rddreg [dreg:$0x3];
	s19 =	simm.s32 $0x0;
	s14 =	stileid.u32  }
0x5: {  	s6 =	srdreg.scid;
	s31 =	simm.s32 $0xD000;
	s28 =	simm.s32 $0x2  }
0x6: {  	s30 =	simm.s32 $0xF000;
	[smem:$0x7FF] =	sst s19;
	s4 =	smul.u32 $0xA00, s14  }
0x7: {  	s5 =	sadd.s32 $0x1600, s0;
	s7 =	sadd.s32 $0x1F000, s0;
	s8 =	smul.u32 $0x280, s14  }
0x8: {  	s6 =	sand.u32 $0x1, s6;
	s9 =	sadd.s32 $0x15000, s0;
	s14 =	smul.u32 $0x14000, s14  }
0x9: {  	_ =	strace $0x80000047;
	s11 =	ssub.s32 $0x2, s6;
	s18 =	smul.u32 $0x2800, s6  }
0xa: {  	p0 =	sne.s32 s6, $0x0;
	s10 =	sadd.s32 s4, s0;
	s12 =	sshrl.u32 s8, $0x3  }
0xb: {  	s13 =	sshrl.u32 s11, $0x1;
	s23 =	sadd.s32 $0x80, s8;
	s24 =	sshrl.u32 s14, $0x2  }
0xc: {  	s15 =	sadd.s32 $0x100, s8;
	s14 =	sadd.s32 $0x180, s8;
	s20 =	sadd.s32 $0x200, s8  }
0xd: {  	s7 =	smov.u32 @p0 s9;
	s9 =	simm.s32 $0x4;
	s0 =	sadd.s32 s12, s0  }
0xe: {  	s11 =	ssub.s32 s11, s13;
	s25 =	sshll.u32 s23, $0x5;
	s21 =	sadd.s32 s24, s1  }
0xf: {  	s29 =	sshll.u32 s15, $0x5;
	s16 =	sshll.u32 s14, $0x5;
	s12 =	sadd.s32 s23, s2  }
0x10: {  	s17 =	sshll.u32 s20, $0x5;
	s23 =	sadd.s32 s15, s2;
	[dreg:$0xc] =	wrdreg s12  }
0x11: {  	s24 =	sadd.s32 s14, s2;
	s10 =	sadd.s32 $0x29000, s10;
	[dreg:$0xd] =	wrdreg s23  }
0x12: {  	s14 =	simm.s32 $0x19;
	s15 =	simm.s32 $0xA;
	[dreg:$0xe] =	wrdreg s24  }
0x13: {  	s26 =	sadd.s32 s25, s1;
	s13 =	sadd.s32 s29, s1;
	[dreg:$0x10] =	wrdreg s10  }
0x14: {  	s16 =	sadd.s32 s16, s1;
	s22 =	sadd.s32 s17, s1;
	[dreg:$0x6] =	wrdreg s21  }
0x15: {  	s25 =	sadd.s32 s20, s2;
	s0 =	sadd.s32 $0x33000, s0;
	[dreg:$0x7] =	wrdreg s26  }
0x16: {  	s29 =	sadd.s32 s7, s4;
	s24 =	simm.s32 $0xE000;
	[dreg:$0x8] =	wrdreg s13  }
0x17: {  	s10 =	simm.s32 $0x11000;
	s17 =	simm.s32 $0x7;
	[dreg:$0x9] =	wrdreg s16  }
0x18: {  	s20 =	simm.s32 $0x8;
	s23 =	simm.s32 $0xC;
	[dreg:$0xa] =	wrdreg s22  }
0x19: {  	s7 =	simm.s32 $0x14;
	s12 =	simm.s32 $0x10;
	[dreg:$0xf] =	wrdreg s25  }
0x1a: {  	s22 =	sadd.s32 s8, s2;
	s8 =	sadd.s32 s8, s18;
	[dreg:$0x12] =	wrdreg s0  }
.Ltmp0:
0x1b: {  	s26 =	smax.u32 s11, $0x1;
	[dreg:$0x14] =	wrdreg s29;
	(pc) =	sbr.rel .LBB2_1-.Ltmp0, $4  }
0x1c: {  	s25 =	simm.s32 $0x80;
	s0 =	simm.s32 $0x1;
	s11 =	simm.s32 $0x5  }
0x1d: {  	s13 =	simm.s32 $0x6;
	s8 =	sshll.u32 s8, $0x2;
	[dreg:$0x13] =	wrdreg s26  }
0x1e: {  	s18 =	simm.s32 $0xB;
	[dreg:$0xb] =	wrdreg s22;
	s3 =	sadd.s32 s3, s8  }
0x1f: {  	v0 =	vimm.f32 $1.000000000e+00;
	v1 =	vimm.f32 $0.0e+00;
	v2 =	vimm.bf16 $0.0e+00;
	s8 =	simm.s32 $0x10000;
	[dreg:$0x11] =	wrdreg s3;
	s3 =	simm.s32 $0x3  }
.LBB2_28:
0x20: {  	s4 =	simm.s32 $0x9  }
0x21: {  	_ =	swait.ge [sflag:s4], $0x1000  }
0x22: {  	[sflag:s4] =	ssyncset.done $0x0  }
0x23: {  	[sflag:s4] =	ssyncadd.s32 $0xFFFFF000  }
0x24: {  	_ =	swait.ge [sflag:s15], $0x1000  }
0x25: {  	[sflag:s15] =	ssyncset.done $0x0  }
0x26: {  	[sflag:s15] =	ssyncadd.s32 $0xFFFFF000  }
0x27: {  	_ =	swait.ge [sflag:s18], $0x1000  }
0x28: {  	[sflag:s18] =	ssyncset.done $0x0  }
0x29: {  	[sflag:s18] =	ssyncadd.s32 $0xFFFFF000  }
0x2a: {  	_ =	swait.ge [sflag:s23], $0x1000  }
0x2b: {  	[sflag:s23] =	ssyncset.done $0x0  }
0x2c: {  	s22 =	simm.s32 $0xD;
	[sflag:s23] =	ssyncadd.s32 $0xFFFFF000  }
0x2d: {  	_ =	swait.ge [sflag:s22], $0x1000  }
0x2e: {  	[sflag:s22] =	ssyncset.done $0x0  }
0x2f: {  	s26 =	simm.s32 $0xE;
	[sflag:s22] =	ssyncadd.s32 $0xFFFFF000  }
0x30: {  	_ =	swait.ge [sflag:s26], $0x1000  }
0x31: {  	[sflag:s26] =	ssyncset.done $0x0  }
0x32: {  	s29 =	simm.s32 $0xF;
	[sflag:s26] =	ssyncadd.s32 $0xFFFFF000  }
0x33: {  	_ =	swait.ge [sflag:s29], $0x1000  }
0x34: {  	[sflag:s29] =	ssyncset.done $0x0  }
0x35: {  	[sflag:s29] =	ssyncadd.s32 $0xFFFFF000  }
0x36: {  	_ =	swait.ge [sflag:s12], $0x1000  }
0x37: {  	[sflag:s12] =	ssyncset.done $0x0  }
0x38: {  	s19 =	rddreg [dreg:$0x5];
	[sflag:s12] =	ssyncadd.s32 $0xFFFFF000  }
.LBB2_29:
0x39: {  	s4 =	stileid.u32;
	[bflag:$0x0] =	sbarrier.arrive $0xFFFF  }
0x3a: {  	s14 =	simm.s32 $0x19;
	s4 =	sshll.u32 s4, $0x6;
	s21 =	rddreg [dreg:$0x6]  }
0x3b: {  	s22 =	rddreg [dreg:$0x11];
	s4 =	sor.u32 $0x1C19, s4;
	s16 =	sshrl.u32 s21, $0x3  }
0x3c: {  	[hbm:s22], [sflag:s4] =	dma.local [spmem:s16], $0xA00  }
0x3d: {  	_ =	swait.ge [sflag:s14], $0xA00  }
0x3e: {  	[sflag:s14] =	ssyncset.done $0x0;
	s22 =	rddreg [dreg:$0xb]  }
0x3f: {  	s26 =	rddreg [dreg:$0x12];
	[sflag:s14] =	ssyncadd.s32 $0xFFFFF600;
	s16 =	sshrl.u32 @!p0 s22, $0x3  }
0x40: {  	[hbm:s26], [sflag:s4] =	dma.local @!p0 [spmem:s16], $0x50  }
0x41: {  	s4 =	simm.s32 @!p0 $0x19  }
0x42: {  	_ =	swait.ge @!p0 [sflag:s4], $0x50  }
0x43: {  	s19 =	sadd.s32 $0x1, s19;
	s29 =	rddreg [dreg:$0x13]  }
0x44: {  	p1 =	sne.s32 s19, s29  }
.Ltmp1:
0x45: {  	_ = 	snop;
	(pc) =	sbr.rel @!p1 .LBB2_30-.Ltmp1, $3  }
0x46: {  	_ =	sdelay $0x1  }
0x47: {  	[sflag:s4] =	ssyncset.done @!p0 $0x0  }
0x48: {  	[sflag:s4] =	ssyncadd.s32 @!p0 $0xFFFFFFB0  }
.LBB2_1:
0x49: {  	[tilespmem:$0x12000] =	vst v0  }
0x4a: {  	[tilespmem:$0x12080] =	vst v1  }
0x4b: {  	[tilespmem:$0x12010] =	vst v0  }
0x4c: {  	[tilespmem:$0x12090] =	vst v1  }
0x4d: {  	[tilespmem:$0x12020] =	vst v0  }
0x4e: {  	[tilespmem:$0x120A0] =	vst v1  }
0x4f: {  	[tilespmem:$0x12030] =	vst v0  }
0x50: {  	[tilespmem:$0x120B0] =	vst v1  }
0x51: {  	[tilespmem:$0x12040] =	vst v0  }
0x52: {  	[tilespmem:$0x120C0] =	vst v1  }
0x53: {  	[tilespmem:$0x12050] =	vst v0  }
0x54: {  	[tilespmem:$0x120D0] =	vst v1  }
0x55: {  	[tilespmem:$0x12060] =	vst v0  }
0x56: {  	[tilespmem:$0x120E0] =	vst v1  }
0x57: {  	[tilespmem:$0x12070] =	vst v0  }
0x58: {  	[dreg:$0x5] =	wrdreg s19;
	[tilespmem:$0x120F0] =	vst v1;
	s4 =	simm.s32 $0x80;
	s16 =	simm.s32 $0x0  }
.LBB2_2:
0x59: {  	p1 =	sne.s32 s4, $0x3F80;
	[tilespmem:s16+$0xA000] =	vst v2;
	s19 =	smov.u32 s4;
	s4 =	sadd.s32 $0x80, s4  }
.Ltmp2:
0x5a: {  	[tilespmem:s16+$0xA010] =	vst v2;
	(pc) =	sbr.rel @p1 .LBB2_2-.Ltmp2, $2  }
0x5b: {  	_ =	sdelay $0x2  }
0x5c: {  	s16 =	sshra.s32 s19, $0x2  }
0x5d: {  	[tilespmem:s16+$0xA000] =	vst v2  }
0x5e: {  	[tilespmem:s16+$0xA010] =	vst v2;
	s26 =	simm.s32 $0xA000  }
0x5f: {  	[spmem:s21] =	stream.linear.scatter [tilespmem:s26], [sflag:$0x19], $0x1000, $0x38;
	[tilespmem:$0x17380] =	vst v63  }
0x60: {  	_ =	swait.ge [sflag:s14], $0x1000  }
0x61: {  	[sflag:s14] =	ssyncset.done $0x0  }
0x62: {  	s4 =	rddreg [dreg:$0x7];
	[sflag:s14] =	ssyncadd.s32 $0xFFFFF000  }
0x63: {  	[spmem:s4] =	stream.linear.scatter [tilespmem:s26], [sflag:$0x19], $0x1000, $0x38;
	[tilespmem:$0x17380] =	vst v63  }
0x64: {  	_ =	swait.ge [sflag:s14], $0x1000  }
0x65: {  	[sflag:s14] =	ssyncset.done $0x0  }
0x66: {  	s21 =	rddreg [dreg:$0x8];
	[sflag:s14] =	ssyncadd.s32 $0xFFFFF000  }
0x67: {  	[spmem:s21] =	stream.linear.scatter [tilespmem:s26], [sflag:$0x19], $0x1000, $0x38;
	[tilespmem:$0x17380] =	vst v63  }
0x68: {  	_ =	swait.ge [sflag:s14], $0x1000  }
0x69: {  	[sflag:s14] =	ssyncset.done $0x0  }
0x6a: {  	s29 =	rddreg [dreg:$0x9];
	[sflag:s14] =	ssyncadd.s32 $0xFFFFF000  }
0x6b: {  	[spmem:s29] =	stream.linear.scatter [tilespmem:s26], [sflag:$0x19], $0x1000, $0x38;
	[tilespmem:$0x17380] =	vst v63  }
0x6c: {  	_ =	swait.ge [sflag:s14], $0x1000  }
0x6d: {  	[sflag:s14] =	ssyncset.done $0x0  }
0x6e: {  	s16 =	rddreg [dreg:$0xa];
	[sflag:s14] =	ssyncadd.s32 $0xFFFFF000  }
0x6f: {  	[spmem:s16] =	stream.linear.scatter [tilespmem:s26], [sflag:$0x19], $0x1000, $0x38;
	[tilespmem:$0x17380] =	vst v63  }
0x70: {  	_ =	swait.ge [sflag:s14], $0x1000  }
0x71: {  	[sflag:s14] =	ssyncset.done $0x0  }
0x72: {  	s4 =	simm.s32 @!p0 $0x12080;
	s16 =	simm.s32 @!p0 $0x19;
	[sflag:s14] =	ssyncadd.s32 $0xFFFFF000  }
0x73: {  	[spmem:s22] =	stream.linear.scatter @!p0 [tilespmem:s4], [sflag:$0x19], $0x80, $0x38;
	[tilespmem:$0x17380] =	vst v63  }
0x74: {  	_ =	swait.ge @!p0 [sflag:s16], $0x80  }
0x75: {  	[sflag:s16] =	ssyncset.done @!p0 $0x0  }
0x76: {  	s19 =	rddreg [dreg:$0xc];
	[sflag:s16] =	ssyncadd.s32 @!p0 $0xFFFFFF80  }
0x77: {  	[spmem:s19] =	stream.linear.scatter @!p0 [tilespmem:s4], [sflag:$0x19], $0x80, $0x38;
	[tilespmem:$0x17380] =	vst v63  }
0x78: {  	_ =	swait.ge @!p0 [sflag:s16], $0x80  }
0x79: {  	[sflag:s16] =	ssyncset.done @!p0 $0x0  }
0x7a: {  	s19 =	rddreg [dreg:$0xd];
	[sflag:s16] =	ssyncadd.s32 @!p0 $0xFFFFFF80  }
0x7b: {  	[spmem:s19] =	stream.linear.scatter @!p0 [tilespmem:s4], [sflag:$0x19], $0x80, $0x38;
	[tilespmem:$0x17380] =	vst v63  }
0x7c: {  	_ =	swait.ge @!p0 [sflag:s16], $0x80  }
0x7d: {  	[sflag:s16] =	ssyncset.done @!p0 $0x0  }
0x7e: {  	s19 =	rddreg [dreg:$0xe];
	[sflag:s16] =	ssyncadd.s32 @!p0 $0xFFFFFF80  }
0x7f: {  	[spmem:s19] =	stream.linear.scatter @!p0 [tilespmem:s4], [sflag:$0x19], $0x80, $0x38;
	[tilespmem:$0x17380] =	vst v63  }
0x80: {  	_ =	swait.ge @!p0 [sflag:s16], $0x80  }
0x81: {  	[sflag:s16] =	ssyncset.done @!p0 $0x0  }
0x82: {  	s19 =	rddreg [dreg:$0xf];
	[sflag:s16] =	ssyncadd.s32 @!p0 $0xFFFFFF80  }
0x83: {  	[spmem:s19] =	stream.linear.scatter @!p0 [tilespmem:s4], [sflag:$0x19], $0x80, $0x38;
	[tilespmem:$0x17380] =	vst v63  }
0x84: {  	_ =	swait.ge @!p0 [sflag:s16], $0x80  }
0x85: {  	[sflag:s16] =	ssyncset.done @!p0 $0x0  }
0x86: {  	s22 =	simm.s32 $0x0;
	s19 =	rddreg [dreg:$0x14];
	[sflag:s16] =	ssyncadd.s32 @!p0 $0xFFFFFF80  }
0x87: {  	[tilespmem:s22], [sflag:$0x19] =	stream.linear.gather [hbm4b:s19+s22], $0x5000, $0x38;
	[tilespmem:$0x17380] =	vst v63  }
0x88: {  	_ =	swait.ge [sflag:s14], $0x5000  }
0x89: {  	[sflag:s14] =	ssyncset.done $0x0  }
0x8a: {  	s29 =	simm.s32 $0x5000;
	s21 =	rddreg [dreg:$0x10];
	[sflag:s14] =	ssyncadd.s32 $0xFFFFB000  }
0x8b: {  	[tilespmem:s29], [sflag:$0x19] =	stream.linear.gather [hbm4b:s21+s22], $0x5000, $0x38;
	[tilespmem:$0x17380] =	vst v63  }
0x8c: {  	_ =	swait.ge [sflag:s14], $0x5000  }
0x8d: {  	[sflag:s14] =	ssyncset.done $0x0  }
0x8e: {  	[sflag:s14] =	ssyncadd.s32 $0xFFFFB000  }
0x8f: {  	[bflag:$0x0] =	sbarrier.arrive $0xFFFF  }
0x90: {  	[tilespmem:s26], [sflag:$0x1] =	stream.indirect.gather [hbm4b:s5+s25], $0x20, s22, s25, $0xb8;
	[tilespmem:$0x17380] =	vst v63  }
0x91: {  	s19 =	simm.s32 $0xB000  }
0x92: {  	[tilespmem:s19], [sflag:$0x2] =	stream.indirect.gather [hbm4b:s5+s25], $0x20, s25, s25, $0xb8;
	[tilespmem:$0x17380] =	vst v63  }
.Ltmp3:
0x93: {  	_ = 	snop;
	(pc) =	sbr.rel .LBB2_4-.Ltmp3, $4  }
0x94: {  	s21 =	simm.s32 $0x100;
	s26 =	simm.s32 $0xC000  }
0x95: {  	[tilespmem:s26], [sflag:$0x3] =	stream.indirect.gather [hbm4b:s5+s25], $0x20, s21, s25, $0xb8;
	[tilespmem:$0x17380] =	vst v63  }
0x96: {  	s16 =	simm.s32 $0x0;
	s29 =	simm.s32 $0x180;
	s14 =	simm.s32 $0xA000  }
0x97: {  	[tilespmem:s31], [sflag:$0x4] =	stream.indirect.gather [hbm4b:s5+s25], $0x20, s29, s25, $0xb8;
	[tilespmem:$0x17380] =	vst v63  }
.LBB2_26:
0x98: {  	s4 =	sadd.s32 $0x580, s19;
	s16 =	sadd.s32 $0x1000, s16;
	s22 =	sadd.s32 $0xFFFFFFFF, s22  }
0x99: {  	[tilespmem:s31], [sflag:$0x4] =	stream.indirect.gather [hbm4b:s5+s25], $0x20, s4, s25, $0xb8;
	[tilespmem:$0x17380] =	vst v63  }
.LBB2_4:
0x9a: {  	_ =	swait.ge [sflag:s0], $0x1000  }
0x9b: {  	s19 =	sshra.s32 s16, $0x2;
	[sflag:s0] =	ssyncset.done $0x0  }
0x9c: {  	s26 =	sadd.s32 $0x5000, s19;
	[sflag:s0] =	ssyncadd.s32 $0xFFFFF000  }
0x9d: {  	[spmem:s1] =	stream.indirect.scatter.add.bf16 [tilespmem:s14], [sflag:$0x9], $0x20, s26, s25, $0xb8;
	[tilespmem:$0x17380] =	vst v63  }
0x9e: {  	s4 =	simm.s32 @!p0 $0x80;
	s21 =	simm.s32 @!p0 $0x12000;
	p1 =	seq.s32 s22, $0x0  }
0x9f: {  	[spmem:s2] =	stream.indirect.scatter.add.f32 @!p0 [tilespmem:s21], [sflag:$0x11], $0x1, s26, s4, $0xb8;
	[tilespmem:$0x17380] =	vst v63  }
0xa0: {  	s26 =	simm.s32 @!p1 $0xD  }
0xa1: {  	p2 =	sne.s32 @!p1 s6, $0x0;
	_ =	swait.ge @!p1 [sflag:s26], $0x1000  }
0xa2: {  	p2 =	por p2, p1;
	[sflag:s26] =	ssyncset.done @!p1 $0x0  }
0xa3: {  	[sflag:s26] =	ssyncadd.s32 @!p1 $0xFFFFF000;
	s26 =	simm.s32 @!p2 $0x15  }
0xa4: {  	_ =	swait.ge @!p2 [sflag:s26], $0x80  }
0xa5: {  	[sflag:s26] =	ssyncset.done @!p2 $0x0  }
0xa6: {  	s29 =	sadd.s32 $0x200, s19;
	[sflag:s26] =	ssyncadd.s32 @!p2 $0xFFFFFF80  }
0xa7: {  	[tilespmem:s24], [sflag:$0x5] =	stream.indirect.gather [hbm4b:s5+s25], $0x20, s29, s25, $0xb8;
	[tilespmem:$0x17380] =	vst v63  }
0xa8: {  	_ =	swait.ge [sflag:s28], $0x1000  }
0xa9: {  	s26 =	sadd.s32 $0x5080, s19;
	p2 =	seq.s32 @p0 s22, $0x0;
	[sflag:s28] =	ssyncset.done $0x0  }
0xaa: {  	s29 =	simm.s32 $0xB000;
	p3 =	por p2, !p0;
	[sflag:s28] =	ssyncadd.s32 $0xFFFFF000  }
0xab: {  	[spmem:s1] =	stream.indirect.scatter.add.bf16 [tilespmem:s29], [sflag:$0xA], $0x20, s26, s25, $0xb8;
	[tilespmem:$0x17380] =	vst v63  }
0xac: {  	s29 =	simm.s32 @!p3 $0xE  }
0xad: {  	_ =	swait.ge @!p3 [sflag:s29], $0x1000  }
0xae: {  	p2 =	seq.s32 @!p0 s22, $0x0;
	[sflag:s29] =	ssyncset.done @!p3 $0x0  }
0xaf: {  	p2 =	por p2, p0;
	[sflag:s29] =	ssyncadd.s32 @!p3 $0xFFFFF000  }
0xb0: {  	[spmem:s2] =	stream.indirect.scatter.add.f32 @!p0 [tilespmem:s21], [sflag:$0x12], $0x1, s26, s4, $0xb8;
	[tilespmem:$0x17380] =	vst v63  }
0xb1: {  	s26 =	simm.s32 @!p2 $0xE  }
0xb2: {  	_ =	swait.ge @!p2 [sflag:s26], $0x1000  }
0xb3: {  	[sflag:s26] =	ssyncset.done @!p2 $0x0  }
0xb4: {  	[sflag:s26] =	ssyncadd.s32 @!p2 $0xFFFFF000;
	s26 =	simm.s32 @!p2 $0x16  }
0xb5: {  	_ =	swait.ge @!p2 [sflag:s26], $0x80  }
0xb6: {  	[sflag:s26] =	ssyncset.done @!p2 $0x0  }
0xb7: {  	s29 =	sadd.s32 $0x280, s19;
	[sflag:s26] =	ssyncadd.s32 @!p2 $0xFFFFFF80  }
0xb8: {  	[tilespmem:s30], [sflag:$0x6] =	stream.indirect.gather [hbm4b:s5+s25], $0x20, s29, s25, $0xb8;
	[tilespmem:$0x17380] =	vst v63  }
0xb9: {  	_ =	swait.ge [sflag:s3], $0x1000  }
0xba: {  	[sflag:s3] =	ssyncset.done $0x0  }
0xbb: {  	s26 =	sadd.s32 $0x5100, s19;
	s29 =	simm.s32 $0xC000;
	[sflag:s3] =	ssyncadd.s32 $0xFFFFF000  }
0xbc: {  	[spmem:s1] =	stream.indirect.scatter.add.bf16 [tilespmem:s29], [sflag:$0xB], $0x20, s26, s25, $0xb8;
	[tilespmem:$0x17380] =	vst v63  }
0xbd: {  	s29 =	simm.s32 @!p3 $0xF  }
0xbe: {  	_ =	swait.ge @!p3 [sflag:s29], $0x1000  }
0xbf: {  	[sflag:s29] =	ssyncset.done @!p3 $0x0  }
0xc0: {  	[sflag:s29] =	ssyncadd.s32 @!p3 $0xFFFFF000  }
0xc1: {  	[spmem:s2] =	stream.indirect.scatter.add.f32 @!p0 [tilespmem:s21], [sflag:$0x13], $0x1, s26, s4, $0xb8;
	[tilespmem:$0x17380] =	vst v63  }
0xc2: {  	s26 =	simm.s32 @!p2 $0xF  }
0xc3: {  	_ =	swait.ge @!p2 [sflag:s26], $0x1000  }
0xc4: {  	[sflag:s26] =	ssyncset.done @!p2 $0x0  }
0xc5: {  	[sflag:s26] =	ssyncadd.s32 @!p2 $0xFFFFF000;
	s26 =	simm.s32 @!p2 $0x17  }
0xc6: {  	_ =	swait.ge @!p2 [sflag:s26], $0x80  }
0xc7: {  	[sflag:s26] =	ssyncset.done @!p2 $0x0  }
0xc8: {  	s29 =	sadd.s32 $0x300, s19;
	[sflag:s26] =	ssyncadd.s32 @!p2 $0xFFFFFF80  }
0xc9: {  	[tilespmem:s8], [sflag:$0x7] =	stream.indirect.gather [hbm4b:s5+s25], $0x20, s29, s25, $0xb8;
	[tilespmem:$0x17380] =	vst v63  }
0xca: {  	_ =	swait.ge [sflag:s9], $0x1000  }
.Ltmp4:
0xcb: {  	[sflag:s9] =	ssyncset.done $0x0;
	(pc) =	sbr.rel @p1 .LBB2_7-.Ltmp4, $4  }
0xcc: {  	s26 =	sadd.s32 $0x5180, s19;
	[sflag:s9] =	ssyncadd.s32 $0xFFFFF000  }
0xcd: {  	[spmem:s1] =	stream.indirect.scatter.add.bf16 [tilespmem:s31], [sflag:$0xC], $0x20, s26, s25, $0xb8;
	[tilespmem:$0x17380] =	vst v63  }
0xce: {  	_ = 	snop  }
0xcf: {  	[spmem:s2] =	stream.indirect.scatter.add.f32 @!p0 [tilespmem:s21], [sflag:$0x14], $0x1, s26, s4, $0xb8;
	[tilespmem:$0x17380] =	vst v63  }
.Ltmp5:
0xd0: {  	(pc) =	sbr.rel @p0 .LBB2_8-.Ltmp5, $4  }
0xd1: {  	_ = 	snop  }
0xd2: {  	_ =	swait.ge [sflag:s12], $0x1000  }
0xd3: {  	[sflag:s12] =	ssyncset.done $0x0  }
0xd4: {  	[sflag:s12] =	ssyncadd.s32 $0xFFFFF000  }
0xd5: {  	s26 =	simm.s32 $0x18  }
0xd6: {  	_ =	swait.ge [sflag:s26], $0x80  }
0xd7: {  	[sflag:s26] =	ssyncset.done $0x0  }
0xd8: {  	[sflag:s26] =	ssyncadd.s32 $0xFFFFFF80  }
.LBB2_7:
0xd9: {  	s26 =	sadd.s32 $0x380, s19  }
0xda: {  	[tilespmem:s10], [sflag:$0x8] =	stream.indirect.gather [hbm4b:s5+s25], $0x20, s26, s25, $0xb8;
	[tilespmem:$0x17380] =	vst v63  }
0xdb: {  	_ =	swait.ge [sflag:s11], $0x1000  }
.Ltmp6:
0xdc: {  	[sflag:s11] =	ssyncset.done $0x0;
	(pc) =	sbr.rel .LBB2_9-.Ltmp6, $4  }
0xdd: {  	s26 =	sadd.s32 $0x5200, s19;
	[sflag:s11] =	ssyncadd.s32 $0xFFFFF000  }
0xde: {  	[spmem:s1] =	stream.indirect.scatter.add.bf16 [tilespmem:s24], [sflag:$0xD], $0x20, s26, s25, $0xb8;
	[tilespmem:$0x17380] =	vst v63  }
0xdf: {  	_ = 	snop  }
0xe0: {  	[spmem:s2] =	stream.indirect.scatter.add.f32 @!p0 [tilespmem:s21], [sflag:$0x15], $0x1, s26, s4, $0xb8;
	[tilespmem:$0x17380] =	vst v63  }
.LBB2_8:
0xe1: {  	s4 =	sadd.s32 $0x380, s19  }
0xe2: {  	[tilespmem:s10], [sflag:$0x8] =	stream.indirect.gather [hbm4b:s5+s25], $0x20, s4, s25, $0xb8;
	[tilespmem:$0x17380] =	vst v63  }
0xe3: {  	_ =	swait.ge [sflag:s11], $0x1000  }
0xe4: {  	[sflag:s11] =	ssyncset.done $0x0  }
0xe5: {  	s29 =	sadd.s32 $0x5200, s19;
	[sflag:s11] =	ssyncadd.s32 $0xFFFFF000  }
0xe6: {  	[spmem:s1] =	stream.indirect.scatter.add.bf16 [tilespmem:s24], [sflag:$0xD], $0x20, s29, s25, $0xb8;
	[tilespmem:$0x17380] =	vst v63  }
.LBB2_9:
0xe7: {  	p1 =	seq.s32 s22, $0xFFFFFFED  }
0xe8: {  	s4 =	simm.s32 @!p1 $0x9  }
0xe9: {  	p2 =	sne.s32 @!p1 s6, $0x0;
	_ =	swait.ge @!p1 [sflag:s4], $0x1000  }
0xea: {  	p2 =	por p2, p1;
	[sflag:s4] =	ssyncset.done @!p1 $0x0  }
0xeb: {  	[sflag:s4] =	ssyncadd.s32 @!p1 $0xFFFFF000;
	s4 =	simm.s32 @!p2 $0x11  }
0xec: {  	_ =	swait.ge @!p2 [sflag:s4], $0x80  }
0xed: {  	[sflag:s4] =	ssyncset.done @!p2 $0x0  }
0xee: {  	[sflag:s4] =	ssyncadd.s32 @!p2 $0xFFFFFF80;
	s4 =	sshra.s32 @!p1 s16, $0x2  }
0xef: {  	s21 =	simm.s32 @!p1 $0x80;
	s26 =	simm.s32 @!p1 $0xA000;
	s4 =	sadd.s32 @!p1 $0x400, s4  }
0xf0: {  	[tilespmem:s26], [sflag:$0x1] =	stream.indirect.gather @!p1 [hbm4b:s5+s21], $0x20, s4, s21, $0xb8;
	[tilespmem:$0x17380] =	vst v63  }
.Ltmp7:
0xf1: {  	_ = 	snop;
	(pc) =	sbr.rel @p0 .LBB2_12-.Ltmp7, $4  }
0xf2: {  	_ =	swait.ge [sflag:s13], $0x1000  }
0xf3: {  	[sflag:s13] =	ssyncset.done $0x0  }
0xf4: {  	s4 =	sadd.s32 $0x5280, s19;
	[sflag:s13] =	ssyncadd.s32 $0xFFFFF000  }
0xf5: {  	[spmem:s1] =	stream.indirect.scatter.add.bf16 [tilespmem:s30], [sflag:$0xE], $0x20, s4, s25, $0xb8;
	[tilespmem:$0x17380] =	vst v63  }
.Ltmp8:
0xf6: {  	(pc) =	sbr.rel @p1 .LBB2_15-.Ltmp8, $3  }
0xf7: {  	_ =	sdelay $0x1  }
0xf8: {  	s21 =	simm.s32 $0x12000  }
0xf9: {  	[spmem:s2] =	stream.indirect.scatter.add.f32 [tilespmem:s21], [sflag:$0x16], $0x1, s4, s25, $0xb8;
	[tilespmem:$0x17380] =	vst v63  }
0xfa: {  	_ =	swait.ge [sflag:s15], $0x1000  }
.Ltmp9:
0xfb: {  	[sflag:s15] =	ssyncset.done $0x0;
	(pc) =	sbr.rel .LBB2_14-.Ltmp9, $4  }
0xfc: {  	s4 =	simm.s32 $0x12;
	[sflag:s15] =	ssyncadd.s32 $0xFFFFF000  }
0xfd: {  	_ =	swait.ge [sflag:s4], $0x80  }
0xfe: {  	[sflag:s4] =	ssyncset.done $0x0  }
0xff: {  	[sflag:s4] =	ssyncadd.s32 $0xFFFFFF80  }
.LBB2_12:
.Ltmp10:
0x100: {  	(pc) =	sbr.rel @p1 .LBB2_15-.Ltmp10, $1  }
0x101: {  	_ =	sdelay $0x3  }
0x102: {  	_ =	swait.ge [sflag:s15], $0x1000  }
0x103: {  	[sflag:s15] =	ssyncset.done $0x0  }
0x104: {  	[sflag:s15] =	ssyncadd.s32 $0xFFFFF000  }
.LBB2_14:
0x105: {  	s4 =	sadd.s32 $0x480, s19;
	s21 =	simm.s32 $0xB000  }
0x106: {  	[tilespmem:s21], [sflag:$0x2] =	stream.indirect.gather [hbm4b:s5+s25], $0x20, s4, s25, $0xb8;
	[tilespmem:$0x17380] =	vst v63  }
.LBB2_15:
.Ltmp11:
0x107: {  	(pc) =	sbr.rel @p0 .LBB2_18-.Ltmp11, $4  }
0x108: {  	_ =	swait.ge [sflag:s17], $0x1000  }
0x109: {  	[sflag:s17] =	ssyncset.done $0x0  }
0x10a: {  	s4 =	sadd.s32 $0x5300, s19;
	[sflag:s17] =	ssyncadd.s32 $0xFFFFF000  }
0x10b: {  	[spmem:s1] =	stream.indirect.scatter.add.bf16 [tilespmem:s8], [sflag:$0xF], $0x20, s4, s25, $0xb8;
	[tilespmem:$0x17380] =	vst v63  }
.Ltmp12:
0x10c: {  	(pc) =	sbr.rel @p1 .LBB2_21-.Ltmp12, $3  }
0x10d: {  	_ =	sdelay $0x1  }
0x10e: {  	s21 =	simm.s32 $0x12000  }
0x10f: {  	[spmem:s2] =	stream.indirect.scatter.add.f32 [tilespmem:s21], [sflag:$0x17], $0x1, s4, s25, $0xb8;
	[tilespmem:$0x17380] =	vst v63  }
0x110: {  	_ =	swait.ge [sflag:s18], $0x1000  }
.Ltmp13:
0x111: {  	[sflag:s18] =	ssyncset.done $0x0;
	(pc) =	sbr.rel .LBB2_20-.Ltmp13, $4  }
0x112: {  	s4 =	simm.s32 $0x13;
	[sflag:s18] =	ssyncadd.s32 $0xFFFFF000  }
0x113: {  	_ =	swait.ge [sflag:s4], $0x80  }
0x114: {  	[sflag:s4] =	ssyncset.done $0x0  }
0x115: {  	[sflag:s4] =	ssyncadd.s32 $0xFFFFFF80  }
.LBB2_18:
.Ltmp14:
0x116: {  	(pc) =	sbr.rel @p1 .LBB2_21-.Ltmp14, $1  }
0x117: {  	_ =	sdelay $0x3  }
0x118: {  	_ =	swait.ge [sflag:s18], $0x1000  }
0x119: {  	[sflag:s18] =	ssyncset.done $0x0  }
0x11a: {  	[sflag:s18] =	ssyncadd.s32 $0xFFFFF000  }
.LBB2_20:
0x11b: {  	s4 =	sadd.s32 $0x500, s19;
	s21 =	simm.s32 $0xC000  }
0x11c: {  	[tilespmem:s21], [sflag:$0x3] =	stream.indirect.gather [hbm4b:s5+s25], $0x20, s4, s25, $0xb8;
	[tilespmem:$0x17380] =	vst v63  }
.LBB2_21:
.Ltmp15:
0x11d: {  	(pc) =	sbr.rel @p0 .LBB2_24-.Ltmp15, $4  }
0x11e: {  	_ =	swait.ge [sflag:s20], $0x1000  }
0x11f: {  	[sflag:s20] =	ssyncset.done $0x0  }
0x120: {  	s4 =	sadd.s32 $0x5380, s19;
	[sflag:s20] =	ssyncadd.s32 $0xFFFFF000  }
0x121: {  	[spmem:s1] =	stream.indirect.scatter.add.bf16 [tilespmem:s10], [sflag:$0x10], $0x20, s4, s25, $0xb8;
	[tilespmem:$0x17380] =	vst v63  }
.Ltmp16:
0x122: {  	(pc) =	sbr.rel @p1 .LBB2_27-.Ltmp16, $3  }
0x123: {  	_ =	sdelay $0x1  }
0x124: {  	s21 =	simm.s32 $0x12000  }
0x125: {  	[spmem:s2] =	stream.indirect.scatter.add.f32 [tilespmem:s21], [sflag:$0x18], $0x1, s4, s25, $0xb8;
	[tilespmem:$0x17380] =	vst v63  }
0x126: {  	_ =	swait.ge [sflag:s23], $0x1000  }
.Ltmp17:
0x127: {  	[sflag:s23] =	ssyncset.done $0x0;
	(pc) =	sbr.rel .LBB2_26-.Ltmp17, $4  }
0x128: {  	[sflag:s23] =	ssyncadd.s32 $0xFFFFF000  }
0x129: {  	_ =	swait.ge [sflag:s7], $0x80  }
0x12a: {  	[sflag:s7] =	ssyncset.done $0x0  }
0x12b: {  	[sflag:s7] =	ssyncadd.s32 $0xFFFFFF80  }
.LBB2_24:
.Ltmp18:
0x12c: {  	(pc) =	sbr.rel @p1 .LBB2_28-.Ltmp18, $1  }
0x12d: {  	_ =	sdelay $0x3  }
.Ltmp19:
0x12e: {  	(pc) =	sbr.rel .LBB2_26-.Ltmp19, $4  }
0x12f: {  	_ = 	snop  }
0x130: {  	_ =	swait.ge [sflag:s23], $0x1000  }
0x131: {  	[sflag:s23] =	ssyncset.done $0x0  }
0x132: {  	[sflag:s23] =	ssyncadd.s32 $0xFFFFF000  }
.LBB2_27:
0x133: {  	s4 =	simm.s32 $0x9  }
0x134: {  	_ =	swait.ge [sflag:s4], $0x1000  }
0x135: {  	[sflag:s4] =	ssyncset.done $0x0  }
0x136: {  	s22 =	simm.s32 $0x11;
	[sflag:s4] =	ssyncadd.s32 $0xFFFFF000  }
0x137: {  	_ =	swait.ge [sflag:s22], $0x80  }
0x138: {  	[sflag:s22] =	ssyncset.done $0x0  }
0x139: {  	[sflag:s22] =	ssyncadd.s32 $0xFFFFFF80  }
0x13a: {  	_ =	swait.ge [sflag:s15], $0x1000  }
0x13b: {  	[sflag:s15] =	ssyncset.done $0x0  }
0x13c: {  	s26 =	simm.s32 $0x12;
	[sflag:s15] =	ssyncadd.s32 $0xFFFFF000  }
0x13d: {  	_ =	swait.ge [sflag:s26], $0x80  }
0x13e: {  	[sflag:s26] =	ssyncset.done $0x0  }
0x13f: {  	[sflag:s26] =	ssyncadd.s32 $0xFFFFFF80  }
0x140: {  	_ =	swait.ge [sflag:s18], $0x1000  }
0x141: {  	[sflag:s18] =	ssyncset.done $0x0  }
0x142: {  	s29 =	simm.s32 $0x13;
	[sflag:s18] =	ssyncadd.s32 $0xFFFFF000  }
0x143: {  	_ =	swait.ge [sflag:s29], $0x80  }
0x144: {  	[sflag:s29] =	ssyncset.done $0x0  }
0x145: {  	[sflag:s29] =	ssyncadd.s32 $0xFFFFFF80  }
0x146: {  	_ =	swait.ge [sflag:s23], $0x1000  }
0x147: {  	[sflag:s23] =	ssyncset.done $0x0  }
0x148: {  	[sflag:s23] =	ssyncadd.s32 $0xFFFFF000  }
0x149: {  	_ =	swait.ge [sflag:s7], $0x80  }
0x14a: {  	[sflag:s7] =	ssyncset.done $0x0  }
0x14b: {  	s14 =	simm.s32 $0xD;
	[sflag:s7] =	ssyncadd.s32 $0xFFFFFF80  }
0x14c: {  	_ =	swait.ge [sflag:s14], $0x1000  }
0x14d: {  	[sflag:s14] =	ssyncset.done $0x0  }
0x14e: {  	s16 =	simm.s32 $0x15;
	[sflag:s14] =	ssyncadd.s32 $0xFFFFF000  }
0x14f: {  	_ =	swait.ge [sflag:s16], $0x80  }
0x150: {  	[sflag:s16] =	ssyncset.done $0x0  }
0x151: {  	s19 =	simm.s32 $0xE;
	[sflag:s16] =	ssyncadd.s32 $0xFFFFFF80  }
0x152: {  	_ =	swait.ge [sflag:s19], $0x1000  }
0x153: {  	[sflag:s19] =	ssyncset.done $0x0  }
0x154: {  	s21 =	simm.s32 $0x16;
	[sflag:s19] =	ssyncadd.s32 $0xFFFFF000  }
0x155: {  	_ =	swait.ge [sflag:s21], $0x80  }
0x156: {  	[sflag:s21] =	ssyncset.done $0x0  }
0x157: {  	s22 =	simm.s32 $0xF;
	[sflag:s21] =	ssyncadd.s32 $0xFFFFFF80  }
0x158: {  	_ =	swait.ge [sflag:s22], $0x1000  }
0x159: {  	[sflag:s22] =	ssyncset.done $0x0  }
0x15a: {  	s26 =	simm.s32 $0x17;
	[sflag:s22] =	ssyncadd.s32 $0xFFFFF000  }
0x15b: {  	_ =	swait.ge [sflag:s26], $0x80  }
0x15c: {  	[sflag:s26] =	ssyncset.done $0x0  }
0x15d: {  	[sflag:s26] =	ssyncadd.s32 $0xFFFFFF80  }
0x15e: {  	_ =	swait.ge [sflag:s12], $0x1000  }
.Ltmp20:
0x15f: {  	[sflag:s12] =	ssyncset.done $0x0;
	(pc) =	sbr.rel .LBB2_29-.Ltmp20, $4  }
0x160: {  	s29 =	simm.s32 $0x18;
	[sflag:s12] =	ssyncadd.s32 $0xFFFFF000  }
0x161: {  	_ =	swait.ge [sflag:s29], $0x80  }
0x162: {  	[sflag:s29] =	ssyncset.done $0x0  }
0x163: {  	s19 =	rddreg [dreg:$0x5];
	[sflag:s29] =	ssyncadd.s32 $0xFFFFFF80  }
.LBB2_30:
0x164: {  	_ =	sfence.sel $0x180000  }
0x165: {  	[bflag:$0x0] =	sbarrier.arrive $0xFFFF  }
0x166: {  	_ =	strace $0x90000047  }
0x167: {  	s0 =	stileid.u32;
	[bflag:$0x2] =	sbarrier.arrive $0xFFFF  }
0x168: {  	p0 =	sne.s32 s0, $0x0;
	s0 =	rddreg [dreg:$0x4]  }
0x169: {  	s0 =	sadd.s32 @!p0 $0x100000, s0  }
0x16a: {  	[sflag:s0] =	ssyncadd.tile.s32 @!p0 $0x1;
	_ =	shalt  }
.Lfunc_end2:
_tile_overlayer_lowered:
.L_overlay_start_2:
0x16b: {  	(tag) =	ssettag $0x2  }
0x16c: {  	s0 =	rddreg [dreg:$0x0];
	s2 =	stileid.u32  }
0x16d: {  	s1 =	rddreg [dreg:$0x1];
	p0 =	sne.s32 s2, $0x0  }
0x16e: {  	s3 =	rddreg [dreg:$0x2];
	[bflag:$0x3] =	sbarrier.arrive $0xFFFF;
	s2 =	simm.s32 @!p0 $0x1C19  }
0x16f: {  	[timem:s3], [sflag:s2] =	dma.local @!p0 [hbm:s0], s1  }
0x170: {  	s0 =	simm.s32 @!p0 $0x19  }
0x171: {  	_ =	swait.ge @!p0 [sflag:s0], s1  }
0x172: {  	s1 =	ssub.s32 @!p0 $0x0, s1;
	[sflag:s0] =	ssyncset.done @!p0 $0x0  }
0x173: {  	[sflag:s0] =	ssyncadd.s32 @!p0 s1  }
0x174: {  	[bflag:$0x3] =	sbarrier.arrive $0xFFFF  }
0x175: {  	_ =	shalt  }

</sc_bundles>
